<compile_context>
chip_gen: v7x
topology: tpu7x:2x2x1
jax: 0.10.2.dev20260603
libtpu: 0.0.44.dev20260713+nightly
codegen_flags: <defaults>
</compile_context>

<pallas_src>
import jax
import jax.numpy as jnp
from jax import lax
from jax.experimental import pallas as pl
from jax.experimental.pallas import tpu as pltpu
from jax.experimental.pallas import tpu_sc as plsc

VOCAB = 8192
NC, NS = 2, 16
NW = NC * NS
K = 2
ROWS_PER_W = 128
NCHUNK = ROWS_PER_W // K
NBUF = 3


def _body(idx_hbm, table_hbm, out_hbm, idx_v, buf_v, buf_s,
          g0, g1, g2, m0, m1, m2, o0, o1, o2):
    cid = lax.axis_index("c")
    sid = lax.axis_index("s")
    wid = sid * NC + cid
    row0 = wid * ROWS_PER_W

    pltpu.sync_copy(idx_hbm.at[wid], idx_v)

    gsem = (g0, g1, g2)
    msem = (m0, m1, m2)
    osem = (o0, o1, o2)

    def g_start(c, b):
        pltpu.make_async_copy(
            table_hbm.at[idx_v.at[c]], buf_v.at[b], gsem[b]).start()

    def g_wait(b):
        pltpu.make_async_copy(
            table_hbm.at[idx_v.at[0]], buf_v.at[b], gsem[b]).wait()

    def m_start(b):
        pltpu.make_async_copy(buf_v.at[b], buf_s.at[sid, b], msem[b]).start()

    def m_wait(b):
        pltpu.make_async_copy(buf_v.at[b], buf_s.at[sid, b], msem[b]).wait()

    def o_start(c, b):
        pltpu.make_async_copy(
            buf_s.at[sid, b], out_hbm.at[pl.ds(row0 + c * K, K)],
            osem[b]).start()

    def o_wait(b):
        pltpu.make_async_copy(
            buf_s.at[sid, b], out_hbm.at[pl.ds(row0, K)], osem[b]).wait()

    def chunk_head(g, b):
        g_start(g + 2, (b + 2) % NBUF)
        g_wait(b)
        m_start(b)
        m_wait(b)
        o_start(g, b)

    def chunk_mid(g, b):
        g_start(g + 2, (b + 2) % NBUF)
        g_wait(b)
        o_wait(b)
        m_start(b)
        m_wait(b)
        o_start(g, b)

    def chunk_tail(g, b):
        g_wait(b)
        o_wait(b)
        m_start(b)
        m_wait(b)
        o_start(g, b)

    g_start(0, 0)
    g_start(1, 1)
    chunk_head(0, 0)
    chunk_head(1, 1)
    chunk_head(2, 2)

    def loop_body(i, _):
        g = 3 * i + 3
        chunk_mid(g, 0)
        chunk_mid(g + 1, 1)
        chunk_mid(g + 2, 2)
        return _

    n_loop = (NCHUNK - 5) // 3
    lax.fori_loop(0, n_loop, loop_body, None)
    for g in range(3 * n_loop + 3, NCHUNK - 2):
        chunk_mid(g, g % NBUF)

    chunk_tail(NCHUNK - 2, (NCHUNK - 2) % NBUF)
    chunk_tail(NCHUNK - 1, (NCHUNK - 1) % NBUF)
    o_wait((NCHUNK - 3) % NBUF)
    o_wait((NCHUNK - 2) % NBUF)
    o_wait((NCHUNK - 1) % NBUF)


_gather = pl.kernel(
    _body,
    out_type=jax.ShapeDtypeStruct((NW * ROWS_PER_W, VOCAB), jnp.float32),
    mesh=plsc.VectorSubcoreMesh(core_axis_name="c", subcore_axis_name="s"),
    scratch_types=[
        pltpu.VMEM((NCHUNK, K), jnp.int32),
        pltpu.VMEM((NBUF, K, VOCAB), jnp.float32),
        pltpu.MemorySpace.VMEM_SHARED((NS, NBUF, K, VOCAB), jnp.float32),
        pltpu.SemaphoreType.DMA,
        pltpu.SemaphoreType.DMA,
        pltpu.SemaphoreType.DMA,
        pltpu.SemaphoreType.DMA,
        pltpu.SemaphoreType.DMA,
        pltpu.SemaphoreType.DMA,
        pltpu.SemaphoreType.DMA,
        pltpu.SemaphoreType.DMA,
        pltpu.SemaphoreType.DMA,
    ],
)


def kernel(inputs, targets, table):
    del targets
    b, l = inputs.shape
    idx = inputs.astype(jnp.int32).reshape(NW, NCHUNK, K)
    out = _gather(idx, table)
    return out.reshape(b, l, VOCAB)

# --- scband reference (transcript-rebuilt; emitter-appended) ---
"""Pipeline reference for scband-bigram-model-10642928959533 (READ-ONLY COPY).

The authoritative reference and input builder live on the scoring server;
editing this copy changes nothing except your own understanding.
"""

import jax, jax.numpy as jnp
import numpy as np

VOCAB = 8192
B, L = 32, 128

def setup_inputs(seed: int = 0) -> dict:
    key = jax.random.key(seed)
    k_tab, k_in, k_tg = jax.random.split(key, 3)
    table = jax.random.normal(k_tab, (VOCAB, VOCAB), dtype=jnp.float32) * 0.02
    inputs = jax.random.randint(k_in, (B, L), 0, VOCAB, dtype=jnp.int64)
    targets = jax.random.randint(k_tg, (B, L), 0, VOCAB, dtype=jnp.int64)
    return {"inputs": inputs, "targets": targets, "table": table}

def reference(inputs, targets, table):
    # BigramModel.forward: logits = token_embedding_table(inputs); targets unused in output
    logits = jnp.take(table, inputs, axis=0)
    return logits

if __name__ == "__main__":
    import jax
    _d = setup_inputs()
    print(jax.jit(kernel)(*tuple(_d.values())))

</pallas_src>

<mosaic_0001>
#map = affine_map<(d0, d1) -> (0, 0, 0)>
#map1 = affine_map<(d0, d1) -> (0, 0)>
module attributes {stable_mosaic.version = 14 : i64} {
  func.func @_body(%arg0: i32, %arg1: i32, %arg2: memref<32x64x2xi32, #tpu.memory_space<hbm>>, %arg3: memref<8192x8192xf32, #tpu.memory_space<hbm>>, %arg4: memref<4096x8192xf32, #tpu.memory_space<hbm>>, %arg5: memref<64x2xi32, #tpu.memory_space<vmem>>, %arg6: memref<3x2x8192xf32, #tpu.memory_space<vmem>>, %arg7: memref<16x3x2x8192xf32, #tpu.memory_space<vmem_shared>>, %arg8: memref<!tpu.dma_semaphore, #tpu.memory_space<semaphore_mem>>, %arg9: memref<!tpu.dma_semaphore, #tpu.memory_space<semaphore_mem>>, %arg10: memref<!tpu.dma_semaphore, #tpu.memory_space<semaphore_mem>>, %arg11: memref<!tpu.dma_semaphore, #tpu.memory_space<semaphore_mem>>, %arg12: memref<!tpu.dma_semaphore, #tpu.memory_space<semaphore_mem>>, %arg13: memref<!tpu.dma_semaphore, #tpu.memory_space<semaphore_mem>>, %arg14: memref<!tpu.dma_semaphore, #tpu.memory_space<semaphore_mem>>, %arg15: memref<!tpu.dma_semaphore, #tpu.memory_space<semaphore_mem>>, %arg16: memref<!tpu.dma_semaphore, #tpu.memory_space<semaphore_mem>>) attributes {dimension_semantics = [#tpu.dimension_semantics<core_parallel>, #tpu.dimension_semantics<subcore_parallel>], iteration_bounds = array<i64: 2, 16>, scalar_prefetch = 0 : i64, scratch_operands = 12 : i64, tpu.core_type = #tpu.core_type<sc_vector_subcore>, window_params = [{transform_indices = #map}, {transform_indices = #map1}, {transform_indices = #map1}]} {
    %mul3A = arith.constant 2 : i32
    %mul3A_0 = arith.muli %arg1, %mul3A : i32
    %add3A = arith.addi %mul3A_0, %arg0 : i32
    %mul3A_1 = arith.constant 128 : i32
    %mul3A_2 = arith.muli %add3A, %mul3A_1 : i32
    "tpu.region"() ({
      %run_scoped3A = tpu.sem_alloc : memref<!tpu.dma_semaphore, #tpu.memory_space<semaphore_mem>>
      %dma_start3A_537 = arith.constant 0 : i32
      %dma_start3A_538 = arith.constant 0 : i32
      %dma_start3A_539 = tpu.memref_slice %arg2[%add3A, %dma_start3A_537, %dma_start3A_538] : memref<32x64x2xi32, #tpu.memory_space<hbm>> -> memref<1x64x2xi32, #tpu.memory_space<hbm>>
      %dma_start3A_540 = tpu.memref_squeeze %dma_start3A_539 : memref<1x64x2xi32, #tpu.memory_space<hbm>> -> memref<64x2xi32, #tpu.memory_space<hbm>>
      %dma_start3A_541 = arith.constant 0 : i32
      %dma_start3A_542 = arith.constant 0 : i32
      %dma_start3A_543 = tpu.memref_slice %arg2[%add3A, %dma_start3A_541, %dma_start3A_542] : memref<32x64x2xi32, #tpu.memory_space<hbm>> -> memref<1x64x2xi32, #tpu.memory_space<hbm>>
      %dma_start3A_544 = tpu.memref_squeeze %dma_start3A_543 : memref<1x64x2xi32, #tpu.memory_space<hbm>> -> memref<64x2xi32, #tpu.memory_space<hbm>>
      tpu.enqueue_dma source(%dma_start3A_544 : memref<64x2xi32, #tpu.memory_space<hbm>>) target(%arg5 : memref<64x2xi32, #tpu.memory_space<vmem>>) target_semaphore(%run_scoped3A : memref<!tpu.dma_semaphore, #tpu.memory_space<semaphore_mem>>)
      %dma_wait3A_545 = arith.constant 0 : i32
      %dma_wait3A_546 = arith.constant 0 : i32
      %dma_wait3A_547 = tpu.memref_slice %arg2[%add3A, %dma_wait3A_545, %dma_wait3A_546] : memref<32x64x2xi32, #tpu.memory_space<hbm>> -> memref<1x64x2xi32, #tpu.memory_space<hbm>>
      %dma_wait3A_548 = tpu.memref_squeeze %dma_wait3A_547 : memref<1x64x2xi32, #tpu.memory_space<hbm>> -> memref<64x2xi32, #tpu.memory_space<hbm>>
      %dma_wait3A_549 = arith.constant 0 : i32
      %dma_wait3A_550 = arith.constant 0 : i32
      %dma_wait3A_551 = tpu.memref_slice %arg2[%add3A, %dma_wait3A_549, %dma_wait3A_550] : memref<32x64x2xi32, #tpu.memory_space<hbm>> -> memref<1x64x2xi32, #tpu.memory_space<hbm>>
      %dma_wait3A_552 = tpu.memref_squeeze %dma_wait3A_551 : memref<1x64x2xi32, #tpu.memory_space<hbm>> -> memref<64x2xi32, #tpu.memory_space<hbm>>
      tpu.wait_dma2 semaphore(%run_scoped3A : memref<!tpu.dma_semaphore, #tpu.memory_space<semaphore_mem>>) src(%dma_wait3A_552 : memref<64x2xi32, #tpu.memory_space<hbm>>) dst(%arg5 : memref<64x2xi32, #tpu.memory_space<vmem>>)
      tpu.yield
    }) : () -> ()
    %dma_start3A = arith.constant 0 : i32
    %dma_start3A_3 = arith.constant 0 : i32
    %dma_start3A_4 = arith.constant 0 : i32
    %dma_start3A_5 = arith.constant 0 : i32
    %dma_start3A_6 = tpu.memref_slice %arg6[%dma_start3A_3, %dma_start3A_4, %dma_start3A_5] : memref<3x2x8192xf32, #tpu.memory_space<vmem>> -> memref<1x2x8192xf32, #tpu.memory_space<vmem>>
    %dma_start3A_7 = tpu.memref_squeeze %dma_start3A_6 : memref<1x2x8192xf32, #tpu.memory_space<vmem>> -> memref<2x8192xf32, #tpu.memory_space<vmem>>
    %dma_start3A_8 = arith.constant 0 : i32
    %dma_start3A_9 = tpu.memref_slice %arg5[%dma_start3A, %dma_start3A_8] : memref<64x2xi32, #tpu.memory_space<vmem>> -> memref<1x2xi32, #tpu.memory_space<vmem>>
    %dma_start3A_10 = tpu.memref_squeeze %dma_start3A_9 : memref<1x2xi32, #tpu.memory_space<vmem>> -> memref<2xi32, #tpu.memory_space<vmem>>
    %dma_start3A_11 = arith.constant 0 : i32
    %dma_start3A_12 = arith.constant 0 : i32
    %dma_start3A_13 = tpu.memref_slice %arg3[%dma_start3A_11, %dma_start3A_12] : memref<8192x8192xf32, #tpu.memory_space<hbm>> -> memref<8192x8192xf32, #tpu.memory_space<hbm>>
    tpu.enqueue_indirect_dma source(%dma_start3A_13 : memref<8192x8192xf32, #tpu.memory_space<hbm>>) target(%dma_start3A_7 : memref<2x8192xf32, #tpu.memory_space<vmem>>) offsets(%dma_start3A_10 : memref<2xi32, #tpu.memory_space<vmem>>) semaphore(%arg8 : memref<!tpu.dma_semaphore, #tpu.memory_space<semaphore_mem>>)
    %dma_start3A_14 = arith.constant 1 : i32
    %dma_start3A_15 = arith.constant 1 : i32
    %dma_start3A_16 = arith.constant 0 : i32
    %dma_start3A_17 = arith.constant 0 : i32
    %dma_start3A_18 = tpu.memref_slice %arg6[%dma_start3A_15, %dma_start3A_16, %dma_start3A_17] : memref<3x2x8192xf32, #tpu.memory_space<vmem>> -> memref<1x2x8192xf32, #tpu.memory_space<vmem>>
    %dma_start3A_19 = tpu.memref_squeeze %dma_start3A_18 : memref<1x2x8192xf32, #tpu.memory_space<vmem>> -> memref<2x8192xf32, #tpu.memory_space<vmem>>
    %dma_start3A_20 = arith.constant 0 : i32
    %dma_start3A_21 = tpu.memref_slice %arg5[%dma_start3A_14, %dma_start3A_20] : memref<64x2xi32, #tpu.memory_space<vmem>> -> memref<1x2xi32, #tpu.memory_space<vmem>>
    %dma_start3A_22 = tpu.memref_squeeze %dma_start3A_21 : memref<1x2xi32, #tpu.memory_space<vmem>> -> memref<2xi32, #tpu.memory_space<vmem>>
    %dma_start3A_23 = arith.constant 0 : i32
    %dma_start3A_24 = arith.constant 0 : i32
    %dma_start3A_25 = tpu.memref_slice %arg3[%dma_start3A_23, %dma_start3A_24] : memref<8192x8192xf32, #tpu.memory_space<hbm>> -> memref<8192x8192xf32, #tpu.memory_space<hbm>>
    tpu.enqueue_indirect_dma source(%dma_start3A_25 : memref<8192x8192xf32, #tpu.memory_space<hbm>>) target(%dma_start3A_19 : memref<2x8192xf32, #tpu.memory_space<vmem>>) offsets(%dma_start3A_22 : memref<2xi32, #tpu.memory_space<vmem>>) semaphore(%arg9 : memref<!tpu.dma_semaphore, #tpu.memory_space<semaphore_mem>>)
    %dma_start3A_26 = arith.constant 2 : i32
    %dma_start3A_27 = arith.constant 2 : i32
    %dma_start3A_28 = arith.constant 0 : i32
    %dma_start3A_29 = arith.constant 0 : i32
    %dma_start3A_30 = tpu.memref_slice %arg6[%dma_start3A_27, %dma_start3A_28, %dma_start3A_29] : memref<3x2x8192xf32, #tpu.memory_space<vmem>> -> memref<1x2x8192xf32, #tpu.memory_space<vmem>>
    %dma_start3A_31 = tpu.memref_squeeze %dma_start3A_30 : memref<1x2x8192xf32, #tpu.memory_space<vmem>> -> memref<2x8192xf32, #tpu.memory_space<vmem>>
    %dma_start3A_32 = arith.constant 0 : i32
    %dma_start3A_33 = tpu.memref_slice %arg5[%dma_start3A_26, %dma_start3A_32] : memref<64x2xi32, #tpu.memory_space<vmem>> -> memref<1x2xi32, #tpu.memory_space<vmem>>
    %dma_start3A_34 = tpu.memref_squeeze %dma_start3A_33 : memref<1x2xi32, #tpu.memory_space<vmem>> -> memref<2xi32, #tpu.memory_space<vmem>>
    %dma_start3A_35 = arith.constant 0 : i32
    %dma_start3A_36 = arith.constant 0 : i32
    %dma_start3A_37 = tpu.memref_slice %arg3[%dma_start3A_35, %dma_start3A_36] : memref<8192x8192xf32, #tpu.memory_space<hbm>> -> memref<8192x8192xf32, #tpu.memory_space<hbm>>
    tpu.enqueue_indirect_dma source(%dma_start3A_37 : memref<8192x8192xf32, #tpu.memory_space<hbm>>) target(%dma_start3A_31 : memref<2x8192xf32, #tpu.memory_space<vmem>>) offsets(%dma_start3A_34 : memref<2xi32, #tpu.memory_space<vmem>>) semaphore(%arg10 : memref<!tpu.dma_semaphore, #tpu.memory_space<semaphore_mem>>)
    %dma_wait3A = arith.constant 0 : i32
    %dma_wait3A_38 = arith.constant 0 : i32
    %dma_wait3A_39 = arith.constant 0 : i32
    %dma_wait3A_40 = arith.constant 0 : i32
    %dma_wait3A_41 = tpu.memref_slice %arg6[%dma_wait3A_38, %dma_wait3A_39, %dma_wait3A_40] : memref<3x2x8192xf32, #tpu.memory_space<vmem>> -> memref<1x2x8192xf32, #tpu.memory_space<vmem>>
    %dma_wait3A_42 = tpu.memref_squeeze %dma_wait3A_41 : memref<1x2x8192xf32, #tpu.memory_space<vmem>> -> memref<2x8192xf32, #tpu.memory_space<vmem>>
    %dma_wait3A_43 = arith.constant 0 : i32
    %dma_wait3A_44 = tpu.memref_slice %arg5[%dma_wait3A, %dma_wait3A_43] : memref<64x2xi32, #tpu.memory_space<vmem>> -> memref<1x2xi32, #tpu.memory_space<vmem>>
    %dma_wait3A_45 = tpu.memref_squeeze %dma_wait3A_44 : memref<1x2xi32, #tpu.memory_space<vmem>> -> memref<2xi32, #tpu.memory_space<vmem>>
    %dma_wait3A_46 = arith.constant 0 : i32
    %dma_wait3A_47 = arith.constant 0 : i32
    %dma_wait3A_48 = tpu.memref_slice %arg3[%dma_wait3A_46, %dma_wait3A_47] : memref<8192x8192xf32, #tpu.memory_space<hbm>> -> memref<8192x8192xf32, #tpu.memory_space<hbm>>
    tpu.wait_indirect_dma semaphore(%arg8 : memref<!tpu.dma_semaphore, #tpu.memory_space<semaphore_mem>>) src(%dma_wait3A_48 : memref<8192x8192xf32, #tpu.memory_space<hbm>>) dst(%dma_wait3A_42 : memref<2x8192xf32, #tpu.memory_space<vmem>>)
    %dma_start3A_49 = arith.constant 0 : i32
    %dma_start3A_50 = arith.constant 0 : i32
    %dma_start3A_51 = arith.constant 0 : i32
    %dma_start3A_52 = arith.constant 0 : i32
    %dma_start3A_53 = tpu.memref_slice %arg6[%dma_start3A_49, %dma_start3A_51, %dma_start3A_52] : memref<3x2x8192xf32, #tpu.memory_space<vmem>> -> memref<1x2x8192xf32, #tpu.memory_space<vmem>>
    %dma_start3A_54 = tpu.memref_squeeze %dma_start3A_53 : memref<1x2x8192xf32, #tpu.memory_space<vmem>> -> memref<2x8192xf32, #tpu.memory_space<vmem>>
    %dma_start3A_55 = arith.constant 0 : i32
    %dma_start3A_56 = arith.constant 0 : i32
    %dma_start3A_57 = tpu.memref_slice %arg7[%arg1, %dma_start3A_50, %dma_start3A_55, %dma_start3A_56] : memref<16x3x2x8192xf32, #tpu.memory_space<vmem_shared>> -> memref<1x1x2x8192xf32, #tpu.memory_space<vmem_shared>>
    %dma_start3A_58 = tpu.memref_squeeze %dma_start3A_57 : memref<1x1x2x8192xf32, #tpu.memory_space<vmem_shared>> -> memref<2x8192xf32, #tpu.memory_space<vmem_shared>>
    %dma_start3A_59 = arith.constant 0 : i32
    %dma_start3A_60 = arith.constant 0 : i32
    %dma_start3A_61 = tpu.memref_slice %arg7[%arg1, %dma_start3A_50, %dma_start3A_59, %dma_start3A_60] : memref<16x3x2x8192xf32, #tpu.memory_space<vmem_shared>> -> memref<1x1x2x8192xf32, #tpu.memory_space<vmem_shared>>
    %dma_start3A_62 = tpu.memref_squeeze %dma_start3A_61 : memref<1x1x2x8192xf32, #tpu.memory_space<vmem_shared>> -> memref<2x8192xf32, #tpu.memory_space<vmem_shared>>
    %dma_start3A_63 = arith.constant 0 : i32
    %dma_start3A_64 = arith.constant 0 : i32
    %dma_start3A_65 = tpu.memref_slice %arg6[%dma_start3A_49, %dma_start3A_63, %dma_start3A_64] : memref<3x2x8192xf32, #tpu.memory_space<vmem>> -> memref<1x2x8192xf32, #tpu.memory_space<vmem>>
    %dma_start3A_66 = tpu.memref_squeeze %dma_start3A_65 : memref<1x2x8192xf32, #tpu.memory_space<vmem>> -> memref<2x8192xf32, #tpu.memory_space<vmem>>
    tpu.enqueue_dma source(%dma_start3A_66 : memref<2x8192xf32, #tpu.memory_space<vmem>>) target(%dma_start3A_62 : memref<2x8192xf32, #tpu.memory_space<vmem_shared>>) target_semaphore(%arg11 : memref<!tpu.dma_semaphore, #tpu.memory_space<semaphore_mem>>)
    %dma_wait3A_67 = arith.constant 0 : i32
    %dma_wait3A_68 = arith.constant 0 : i32
    %dma_wait3A_69 = arith.constant 0 : i32
    %dma_wait3A_70 = arith.constant 0 : i32
    %dma_wait3A_71 = tpu.memref_slice %arg6[%dma_wait3A_67, %dma_wait3A_69, %dma_wait3A_70] : memref<3x2x8192xf32, #tpu.memory_space<vmem>> -> memref<1x2x8192xf32, #tpu.memory_space<vmem>>
    %dma_wait3A_72 = tpu.memref_squeeze %dma_wait3A_71 : memref<1x2x8192xf32, #tpu.memory_space<vmem>> -> memref<2x8192xf32, #tpu.memory_space<vmem>>
    %dma_wait3A_73 = arith.constant 0 : i32
    %dma_wait3A_74 = arith.constant 0 : i32
    %dma_wait3A_75 = tpu.memref_slice %arg7[%arg1, %dma_wait3A_68, %dma_wait3A_73, %dma_wait3A_74] : memref<16x3x2x8192xf32, #tpu.memory_space<vmem_shared>> -> memref<1x1x2x8192xf32, #tpu.memory_space<vmem_shared>>
    %dma_wait3A_76 = tpu.memref_squeeze %dma_wait3A_75 : memref<1x1x2x8192xf32, #tpu.memory_space<vmem_shared>> -> memref<2x8192xf32, #tpu.memory_space<vmem_shared>>
    %dma_wait3A_77 = arith.constant 0 : i32
    %dma_wait3A_78 = arith.constant 0 : i32
    %dma_wait3A_79 = tpu.memref_slice %arg7[%arg1, %dma_wait3A_68, %dma_wait3A_77, %dma_wait3A_78] : memref<16x3x2x8192xf32, #tpu.memory_space<vmem_shared>> -> memref<1x1x2x8192xf32, #tpu.memory_space<vmem_shared>>
    %dma_wait3A_80 = tpu.memref_squeeze %dma_wait3A_79 : memref<1x1x2x8192xf32, #tpu.memory_space<vmem_shared>> -> memref<2x8192xf32, #tpu.memory_space<vmem_shared>>
    %dma_wait3A_81 = arith.constant 0 : i32
    %dma_wait3A_82 = arith.constant 0 : i32
    %dma_wait3A_83 = tpu.memref_slice %arg6[%dma_wait3A_67, %dma_wait3A_81, %dma_wait3A_82] : memref<3x2x8192xf32, #tpu.memory_space<vmem>> -> memref<1x2x8192xf32, #tpu.memory_space<vmem>>
    %dma_wait3A_84 = tpu.memref_squeeze %dma_wait3A_83 : memref<1x2x8192xf32, #tpu.memory_space<vmem>> -> memref<2x8192xf32, #tpu.memory_space<vmem>>
    tpu.wait_dma2 semaphore(%arg11 : memref<!tpu.dma_semaphore, #tpu.memory_space<semaphore_mem>>) src(%dma_wait3A_84 : memref<2x8192xf32, #tpu.memory_space<vmem>>) dst(%dma_wait3A_80 : memref<2x8192xf32, #tpu.memory_space<vmem_shared>>)
    %add3A_85 = arith.constant 0 : i32
    %add3A_86 = arith.addi %mul3A_2, %add3A_85 : i32
    %dma_start3A_87 = arith.constant 0 : i32
    %dma_start3A_88 = arith.constant 0 : i32
    %dma_start3A_89 = tpu.memref_slice %arg4[%add3A_86, %dma_start3A_88] : memref<4096x8192xf32, #tpu.memory_space<hbm>> -> memref<2x8192xf32, #tpu.memory_space<hbm>>
    %dma_start3A_90 = arith.constant 0 : i32
    %dma_start3A_91 = arith.constant 0 : i32
    %dma_start3A_92 = tpu.memref_slice %arg7[%arg1, %dma_start3A_87, %dma_start3A_90, %dma_start3A_91] : memref<16x3x2x8192xf32, #tpu.memory_space<vmem_shared>> -> memref<1x1x2x8192xf32, #tpu.memory_space<vmem_shared>>
    %dma_start3A_93 = tpu.memref_squeeze %dma_start3A_92 : memref<1x1x2x8192xf32, #tpu.memory_space<vmem_shared>> -> memref<2x8192xf32, #tpu.memory_space<vmem_shared>>
    tpu.enqueue_dma source(%dma_start3A_93 : memref<2x8192xf32, #tpu.memory_space<vmem_shared>>) target(%dma_start3A_89 : memref<2x8192xf32, #tpu.memory_space<hbm>>) target_semaphore(%arg14 : memref<!tpu.dma_semaphore, #tpu.memory_space<semaphore_mem>>)
    %dma_start3A_94 = arith.constant 3 : i32
    %dma_start3A_95 = arith.constant 0 : i32
    %dma_start3A_96 = arith.constant 0 : i32
    %dma_start3A_97 = arith.constant 0 : i32
    %dma_start3A_98 = tpu.memref_slice %arg6[%dma_start3A_95, %dma_start3A_96, %dma_start3A_97] : memref<3x2x8192xf32, #tpu.memory_space<vmem>> -> memref<1x2x8192xf32, #tpu.memory_space<vmem>>
    %dma_start3A_99 = tpu.memref_squeeze %dma_start3A_98 : memref<1x2x8192xf32, #tpu.memory_space<vmem>> -> memref<2x8192xf32, #tpu.memory_space<vmem>>
    %dma_start3A_100 = arith.constant 0 : i32
    %dma_start3A_101 = tpu.memref_slice %arg5[%dma_start3A_94, %dma_start3A_100] : memref<64x2xi32, #tpu.memory_space<vmem>> -> memref<1x2xi32, #tpu.memory_space<vmem>>
    %dma_start3A_102 = tpu.memref_squeeze %dma_start3A_101 : memref<1x2xi32, #tpu.memory_space<vmem>> -> memref<2xi32, #tpu.memory_space<vmem>>
    %dma_start3A_103 = arith.constant 0 : i32
    %dma_start3A_104 = arith.constant 0 : i32
    %dma_start3A_105 = tpu.memref_slice %arg3[%dma_start3A_103, %dma_start3A_104] : memref<8192x8192xf32, #tpu.memory_space<hbm>> -> memref<8192x8192xf32, #tpu.memory_space<hbm>>
    tpu.enqueue_indirect_dma source(%dma_start3A_105 : memref<8192x8192xf32, #tpu.memory_space<hbm>>) target(%dma_start3A_99 : memref<2x8192xf32, #tpu.memory_space<vmem>>) offsets(%dma_start3A_102 : memref<2xi32, #tpu.memory_space<vmem>>) semaphore(%arg8 : memref<!tpu.dma_semaphore, #tpu.memory_space<semaphore_mem>>)
    %dma_wait3A_106 = arith.constant 0 : i32
    %dma_wait3A_107 = arith.constant 1 : i32
    %dma_wait3A_108 = arith.constant 0 : i32
    %dma_wait3A_109 = arith.constant 0 : i32
    %dma_wait3A_110 = tpu.memref_slice %arg6[%dma_wait3A_107, %dma_wait3A_108, %dma_wait3A_109] : memref<3x2x8192xf32, #tpu.memory_space<vmem>> -> memref<1x2x8192xf32, #tpu.memory_space<vmem>>
    %dma_wait3A_111 = tpu.memref_squeeze %dma_wait3A_110 : memref<1x2x8192xf32, #tpu.memory_space<vmem>> -> memref<2x8192xf32, #tpu.memory_space<vmem>>
    %dma_wait3A_112 = arith.constant 0 : i32
    %dma_wait3A_113 = tpu.memref_slice %arg5[%dma_wait3A_106, %dma_wait3A_112] : memref<64x2xi32, #tpu.memory_space<vmem>> -> memref<1x2xi32, #tpu.memory_space<vmem>>
    %dma_wait3A_114 = tpu.memref_squeeze %dma_wait3A_113 : memref<1x2xi32, #tpu.memory_space<vmem>> -> memref<2xi32, #tpu.memory_space<vmem>>
    %dma_wait3A_115 = arith.constant 0 : i32
    %dma_wait3A_116 = arith.constant 0 : i32
    %dma_wait3A_117 = tpu.memref_slice %arg3[%dma_wait3A_115, %dma_wait3A_116] : memref<8192x8192xf32, #tpu.memory_space<hbm>> -> memref<8192x8192xf32, #tpu.memory_space<hbm>>
    tpu.wait_indirect_dma semaphore(%arg9 : memref<!tpu.dma_semaphore, #tpu.memory_space<semaphore_mem>>) src(%dma_wait3A_117 : memref<8192x8192xf32, #tpu.memory_space<hbm>>) dst(%dma_wait3A_111 : memref<2x8192xf32, #tpu.memory_space<vmem>>)
    %dma_start3A_118 = arith.constant 1 : i32
    %dma_start3A_119 = arith.constant 1 : i32
    %dma_start3A_120 = arith.constant 0 : i32
    %dma_start3A_121 = arith.constant 0 : i32
    %dma_start3A_122 = tpu.memref_slice %arg6[%dma_start3A_118, %dma_start3A_120, %dma_start3A_121] : memref<3x2x8192xf32, #tpu.memory_space<vmem>> -> memref<1x2x8192xf32, #tpu.memory_space<vmem>>
    %dma_start3A_123 = tpu.memref_squeeze %dma_start3A_122 : memref<1x2x8192xf32, #tpu.memory_space<vmem>> -> memref<2x8192xf32, #tpu.memory_space<vmem>>
    %dma_start3A_124 = arith.constant 0 : i32
    %dma_start3A_125 = arith.constant 0 : i32
    %dma_start3A_126 = tpu.memref_slice %arg7[%arg1, %dma_start3A_119, %dma_start3A_124, %dma_start3A_125] : memref<16x3x2x8192xf32, #tpu.memory_space<vmem_shared>> -> memref<1x1x2x8192xf32, #tpu.memory_space<vmem_shared>>
    %dma_start3A_127 = tpu.memref_squeeze %dma_start3A_126 : memref<1x1x2x8192xf32, #tpu.memory_space<vmem_shared>> -> memref<2x8192xf32, #tpu.memory_space<vmem_shared>>
    %dma_start3A_128 = arith.constant 0 : i32
    %dma_start3A_129 = arith.constant 0 : i32
    %dma_start3A_130 = tpu.memref_slice %arg7[%arg1, %dma_start3A_119, %dma_start3A_128, %dma_start3A_129] : memref<16x3x2x8192xf32, #tpu.memory_space<vmem_shared>> -> memref<1x1x2x8192xf32, #tpu.memory_space<vmem_shared>>
    %dma_start3A_131 = tpu.memref_squeeze %dma_start3A_130 : memref<1x1x2x8192xf32, #tpu.memory_space<vmem_shared>> -> memref<2x8192xf32, #tpu.memory_space<vmem_shared>>
    %dma_start3A_132 = arith.constant 0 : i32
    %dma_start3A_133 = arith.constant 0 : i32
    %dma_start3A_134 = tpu.memref_slice %arg6[%dma_start3A_118, %dma_start3A_132, %dma_start3A_133] : memref<3x2x8192xf32, #tpu.memory_space<vmem>> -> memref<1x2x8192xf32, #tpu.memory_space<vmem>>
    %dma_start3A_135 = tpu.memref_squeeze %dma_start3A_134 : memref<1x2x8192xf32, #tpu.memory_space<vmem>> -> memref<2x8192xf32, #tpu.memory_space<vmem>>
    tpu.enqueue_dma source(%dma_start3A_135 : memref<2x8192xf32, #tpu.memory_space<vmem>>) target(%dma_start3A_131 : memref<2x8192xf32, #tpu.memory_space<vmem_shared>>) target_semaphore(%arg12 : memref<!tpu.dma_semaphore, #tpu.memory_space<semaphore_mem>>)
    %dma_wait3A_136 = arith.constant 1 : i32
    %dma_wait3A_137 = arith.constant 1 : i32
    %dma_wait3A_138 = arith.constant 0 : i32
    %dma_wait3A_139 = arith.constant 0 : i32
    %dma_wait3A_140 = tpu.memref_slice %arg6[%dma_wait3A_136, %dma_wait3A_138, %dma_wait3A_139] : memref<3x2x8192xf32, #tpu.memory_space<vmem>> -> memref<1x2x8192xf32, #tpu.memory_space<vmem>>
    %dma_wait3A_141 = tpu.memref_squeeze %dma_wait3A_140 : memref<1x2x8192xf32, #tpu.memory_space<vmem>> -> memref<2x8192xf32, #tpu.memory_space<vmem>>
    %dma_wait3A_142 = arith.constant 0 : i32
    %dma_wait3A_143 = arith.constant 0 : i32
    %dma_wait3A_144 = tpu.memref_slice %arg7[%arg1, %dma_wait3A_137, %dma_wait3A_142, %dma_wait3A_143] : memref<16x3x2x8192xf32, #tpu.memory_space<vmem_shared>> -> memref<1x1x2x8192xf32, #tpu.memory_space<vmem_shared>>
    %dma_wait3A_145 = tpu.memref_squeeze %dma_wait3A_144 : memref<1x1x2x8192xf32, #tpu.memory_space<vmem_shared>> -> memref<2x8192xf32, #tpu.memory_space<vmem_shared>>
    %dma_wait3A_146 = arith.constant 0 : i32
    %dma_wait3A_147 = arith.constant 0 : i32
    %dma_wait3A_148 = tpu.memref_slice %arg7[%arg1, %dma_wait3A_137, %dma_wait3A_146, %dma_wait3A_147] : memref<16x3x2x8192xf32, #tpu.memory_space<vmem_shared>> -> memref<1x1x2x8192xf32, #tpu.memory_space<vmem_shared>>
    %dma_wait3A_149 = tpu.memref_squeeze %dma_wait3A_148 : memref<1x1x2x8192xf32, #tpu.memory_space<vmem_shared>> -> memref<2x8192xf32, #tpu.memory_space<vmem_shared>>
    %dma_wait3A_150 = arith.constant 0 : i32
    %dma_wait3A_151 = arith.constant 0 : i32
    %dma_wait3A_152 = tpu.memref_slice %arg6[%dma_wait3A_136, %dma_wait3A_150, %dma_wait3A_151] : memref<3x2x8192xf32, #tpu.memory_space<vmem>> -> memref<1x2x8192xf32, #tpu.memory_space<vmem>>
    %dma_wait3A_153 = tpu.memref_squeeze %dma_wait3A_152 : memref<1x2x8192xf32, #tpu.memory_space<vmem>> -> memref<2x8192xf32, #tpu.memory_space<vmem>>
    tpu.wait_dma2 semaphore(%arg12 : memref<!tpu.dma_semaphore, #tpu.memory_space<semaphore_mem>>) src(%dma_wait3A_153 : memref<2x8192xf32, #tpu.memory_space<vmem>>) dst(%dma_wait3A_149 : memref<2x8192xf32, #tpu.memory_space<vmem_shared>>)
    %add3A_154 = arith.constant 2 : i32
    %add3A_155 = arith.addi %mul3A_2, %add3A_154 : i32
    %dma_start3A_156 = arith.constant 1 : i32
    %dma_start3A_157 = arith.constant 0 : i32
    %dma_start3A_158 = tpu.memref_slice %arg4[%add3A_155, %dma_start3A_157] : memref<4096x8192xf32, #tpu.memory_space<hbm>> -> memref<2x8192xf32, #tpu.memory_space<hbm>>
    %dma_start3A_159 = arith.constant 0 : i32
    %dma_start3A_160 = arith.constant 0 : i32
    %dma_start3A_161 = tpu.memref_slice %arg7[%arg1, %dma_start3A_156, %dma_start3A_159, %dma_start3A_160] : memref<16x3x2x8192xf32, #tpu.memory_space<vmem_shared>> -> memref<1x1x2x8192xf32, #tpu.memory_space<vmem_shared>>
    %dma_start3A_162 = tpu.memref_squeeze %dma_start3A_161 : memref<1x1x2x8192xf32, #tpu.memory_space<vmem_shared>> -> memref<2x8192xf32, #tpu.memory_space<vmem_shared>>
    tpu.enqueue_dma source(%dma_start3A_162 : memref<2x8192xf32, #tpu.memory_space<vmem_shared>>) target(%dma_start3A_158 : memref<2x8192xf32, #tpu.memory_space<hbm>>) target_semaphore(%arg15 : memref<!tpu.dma_semaphore, #tpu.memory_space<semaphore_mem>>)
    %dma_start3A_163 = arith.constant 4 : i32
    %dma_start3A_164 = arith.constant 1 : i32
    %dma_start3A_165 = arith.constant 0 : i32
    %dma_start3A_166 = arith.constant 0 : i32
    %dma_start3A_167 = tpu.memref_slice %arg6[%dma_start3A_164, %dma_start3A_165, %dma_start3A_166] : memref<3x2x8192xf32, #tpu.memory_space<vmem>> -> memref<1x2x8192xf32, #tpu.memory_space<vmem>>
    %dma_start3A_168 = tpu.memref_squeeze %dma_start3A_167 : memref<1x2x8192xf32, #tpu.memory_space<vmem>> -> memref<2x8192xf32, #tpu.memory_space<vmem>>
    %dma_start3A_169 = arith.constant 0 : i32
    %dma_start3A_170 = tpu.memref_slice %arg5[%dma_start3A_163, %dma_start3A_169] : memref<64x2xi32, #tpu.memory_space<vmem>> -> memref<1x2xi32, #tpu.memory_space<vmem>>
    %dma_start3A_171 = tpu.memref_squeeze %dma_start3A_170 : memref<1x2xi32, #tpu.memory_space<vmem>> -> memref<2xi32, #tpu.memory_space<vmem>>
    %dma_start3A_172 = arith.constant 0 : i32
    %dma_start3A_173 = arith.constant 0 : i32
    %dma_start3A_174 = tpu.memref_slice %arg3[%dma_start3A_172, %dma_start3A_173] : memref<8192x8192xf32, #tpu.memory_space<hbm>> -> memref<8192x8192xf32, #tpu.memory_space<hbm>>
    tpu.enqueue_indirect_dma source(%dma_start3A_174 : memref<8192x8192xf32, #tpu.memory_space<hbm>>) target(%dma_start3A_168 : memref<2x8192xf32, #tpu.memory_space<vmem>>) offsets(%dma_start3A_171 : memref<2xi32, #tpu.memory_space<vmem>>) semaphore(%arg9 : memref<!tpu.dma_semaphore, #tpu.memory_space<semaphore_mem>>)
    %dma_wait3A_175 = arith.constant 0 : i32
    %dma_wait3A_176 = arith.constant 2 : i32
    %dma_wait3A_177 = arith.constant 0 : i32
    %dma_wait3A_178 = arith.constant 0 : i32
    %dma_wait3A_179 = tpu.memref_slice %arg6[%dma_wait3A_176, %dma_wait3A_177, %dma_wait3A_178] : memref<3x2x8192xf32, #tpu.memory_space<vmem>> -> memref<1x2x8192xf32, #tpu.memory_space<vmem>>
    %dma_wait3A_180 = tpu.memref_squeeze %dma_wait3A_179 : memref<1x2x8192xf32, #tpu.memory_space<vmem>> -> memref<2x8192xf32, #tpu.memory_space<vmem>>
    %dma_wait3A_181 = arith.constant 0 : i32
    %dma_wait3A_182 = tpu.memref_slice %arg5[%dma_wait3A_175, %dma_wait3A_181] : memref<64x2xi32, #tpu.memory_space<vmem>> -> memref<1x2xi32, #tpu.memory_space<vmem>>
    %dma_wait3A_183 = tpu.memref_squeeze %dma_wait3A_182 : memref<1x2xi32, #tpu.memory_space<vmem>> -> memref<2xi32, #tpu.memory_space<vmem>>
    %dma_wait3A_184 = arith.constant 0 : i32
    %dma_wait3A_185 = arith.constant 0 : i32
    %dma_wait3A_186 = tpu.memref_slice %arg3[%dma_wait3A_184, %dma_wait3A_185] : memref<8192x8192xf32, #tpu.memory_space<hbm>> -> memref<8192x8192xf32, #tpu.memory_space<hbm>>
    tpu.wait_indirect_dma semaphore(%arg10 : memref<!tpu.dma_semaphore, #tpu.memory_space<semaphore_mem>>) src(%dma_wait3A_186 : memref<8192x8192xf32, #tpu.memory_space<hbm>>) dst(%dma_wait3A_180 : memref<2x8192xf32, #tpu.memory_space<vmem>>)
    %dma_start3A_187 = arith.constant 2 : i32
    %dma_start3A_188 = arith.constant 2 : i32
    %dma_start3A_189 = arith.constant 0 : i32
    %dma_start3A_190 = arith.constant 0 : i32
    %dma_start3A_191 = tpu.memref_slice %arg6[%dma_start3A_187, %dma_start3A_189, %dma_start3A_190] : memref<3x2x8192xf32, #tpu.memory_space<vmem>> -> memref<1x2x8192xf32, #tpu.memory_space<vmem>>
    %dma_start3A_192 = tpu.memref_squeeze %dma_start3A_191 : memref<1x2x8192xf32, #tpu.memory_space<vmem>> -> memref<2x8192xf32, #tpu.memory_space<vmem>>
    %dma_start3A_193 = arith.constant 0 : i32
    %dma_start3A_194 = arith.constant 0 : i32
    %dma_start3A_195 = tpu.memref_slice %arg7[%arg1, %dma_start3A_188, %dma_start3A_193, %dma_start3A_194] : memref<16x3x2x8192xf32, #tpu.memory_space<vmem_shared>> -> memref<1x1x2x8192xf32, #tpu.memory_space<vmem_shared>>
    %dma_start3A_196 = tpu.memref_squeeze %dma_start3A_195 : memref<1x1x2x8192xf32, #tpu.memory_space<vmem_shared>> -> memref<2x8192xf32, #tpu.memory_space<vmem_shared>>
    %dma_start3A_197 = arith.constant 0 : i32
    %dma_start3A_198 = arith.constant 0 : i32
    %dma_start3A_199 = tpu.memref_slice %arg7[%arg1, %dma_start3A_188, %dma_start3A_197, %dma_start3A_198] : memref<16x3x2x8192xf32, #tpu.memory_space<vmem_shared>> -> memref<1x1x2x8192xf32, #tpu.memory_space<vmem_shared>>
    %dma_start3A_200 = tpu.memref_squeeze %dma_start3A_199 : memref<1x1x2x8192xf32, #tpu.memory_space<vmem_shared>> -> memref<2x8192xf32, #tpu.memory_space<vmem_shared>>
    %dma_start3A_201 = arith.constant 0 : i32
    %dma_start3A_202 = arith.constant 0 : i32
    %dma_start3A_203 = tpu.memref_slice %arg6[%dma_start3A_187, %dma_start3A_201, %dma_start3A_202] : memref<3x2x8192xf32, #tpu.memory_space<vmem>> -> memref<1x2x8192xf32, #tpu.memory_space<vmem>>
    %dma_start3A_204 = tpu.memref_squeeze %dma_start3A_203 : memref<1x2x8192xf32, #tpu.memory_space<vmem>> -> memref<2x8192xf32, #tpu.memory_space<vmem>>
    tpu.enqueue_dma source(%dma_start3A_204 : memref<2x8192xf32, #tpu.memory_space<vmem>>) target(%dma_start3A_200 : memref<2x8192xf32, #tpu.memory_space<vmem_shared>>) target_semaphore(%arg13 : memref<!tpu.dma_semaphore, #tpu.memory_space<semaphore_mem>>)
    %dma_wait3A_205 = arith.constant 2 : i32
    %dma_wait3A_206 = arith.constant 2 : i32
    %dma_wait3A_207 = arith.constant 0 : i32
    %dma_wait3A_208 = arith.constant 0 : i32
    %dma_wait3A_209 = tpu.memref_slice %arg6[%dma_wait3A_205, %dma_wait3A_207, %dma_wait3A_208] : memref<3x2x8192xf32, #tpu.memory_space<vmem>> -> memref<1x2x8192xf32, #tpu.memory_space<vmem>>
    %dma_wait3A_210 = tpu.memref_squeeze %dma_wait3A_209 : memref<1x2x8192xf32, #tpu.memory_space<vmem>> -> memref<2x8192xf32, #tpu.memory_space<vmem>>
    %dma_wait3A_211 = arith.constant 0 : i32
    %dma_wait3A_212 = arith.constant 0 : i32
    %dma_wait3A_213 = tpu.memref_slice %arg7[%arg1, %dma_wait3A_206, %dma_wait3A_211, %dma_wait3A_212] : memref<16x3x2x8192xf32, #tpu.memory_space<vmem_shared>> -> memref<1x1x2x8192xf32, #tpu.memory_space<vmem_shared>>
    %dma_wait3A_214 = tpu.memref_squeeze %dma_wait3A_213 : memref<1x1x2x8192xf32, #tpu.memory_space<vmem_shared>> -> memref<2x8192xf32, #tpu.memory_space<vmem_shared>>
    %dma_wait3A_215 = arith.constant 0 : i32
    %dma_wait3A_216 = arith.constant 0 : i32
    %dma_wait3A_217 = tpu.memref_slice %arg7[%arg1, %dma_wait3A_206, %dma_wait3A_215, %dma_wait3A_216] : memref<16x3x2x8192xf32, #tpu.memory_space<vmem_shared>> -> memref<1x1x2x8192xf32, #tpu.memory_space<vmem_shared>>
    %dma_wait3A_218 = tpu.memref_squeeze %dma_wait3A_217 : memref<1x1x2x8192xf32, #tpu.memory_space<vmem_shared>> -> memref<2x8192xf32, #tpu.memory_space<vmem_shared>>
    %dma_wait3A_219 = arith.constant 0 : i32
    %dma_wait3A_220 = arith.constant 0 : i32
    %dma_wait3A_221 = tpu.memref_slice %arg6[%dma_wait3A_205, %dma_wait3A_219, %dma_wait3A_220] : memref<3x2x8192xf32, #tpu.memory_space<vmem>> -> memref<1x2x8192xf32, #tpu.memory_space<vmem>>
    %dma_wait3A_222 = tpu.memref_squeeze %dma_wait3A_221 : memref<1x2x8192xf32, #tpu.memory_space<vmem>> -> memref<2x8192xf32, #tpu.memory_space<vmem>>
    tpu.wait_dma2 semaphore(%arg13 : memref<!tpu.dma_semaphore, #tpu.memory_space<semaphore_mem>>) src(%dma_wait3A_222 : memref<2x8192xf32, #tpu.memory_space<vmem>>) dst(%dma_wait3A_218 : memref<2x8192xf32, #tpu.memory_space<vmem_shared>>)
    %add3A_223 = arith.constant 4 : i32
    %add3A_224 = arith.addi %mul3A_2, %add3A_223 : i32
    %dma_start3A_225 = arith.constant 2 : i32
    %dma_start3A_226 = arith.constant 0 : i32
    %dma_start3A_227 = tpu.memref_slice %arg4[%add3A_224, %dma_start3A_226] : memref<4096x8192xf32, #tpu.memory_space<hbm>> -> memref<2x8192xf32, #tpu.memory_space<hbm>>
    %dma_start3A_228 = arith.constant 0 : i32
    %dma_start3A_229 = arith.constant 0 : i32
    %dma_start3A_230 = tpu.memref_slice %arg7[%arg1, %dma_start3A_225, %dma_start3A_228, %dma_start3A_229] : memref<16x3x2x8192xf32, #tpu.memory_space<vmem_shared>> -> memref<1x1x2x8192xf32, #tpu.memory_space<vmem_shared>>
    %dma_start3A_231 = tpu.memref_squeeze %dma_start3A_230 : memref<1x1x2x8192xf32, #tpu.memory_space<vmem_shared>> -> memref<2x8192xf32, #tpu.memory_space<vmem_shared>>
    tpu.enqueue_dma source(%dma_start3A_231 : memref<2x8192xf32, #tpu.memory_space<vmem_shared>>) target(%dma_start3A_227 : memref<2x8192xf32, #tpu.memory_space<hbm>>) target_semaphore(%arg16 : memref<!tpu.dma_semaphore, #tpu.memory_space<semaphore_mem>>)
    %scan3A = arith.constant 0 : i32
    %scan3A_232 = arith.constant 19 : i32
    %scan3A_233 = arith.addi %scan3A, %scan3A_232 : i32
    %scan3A_234 = arith.constant 1 : i32
    scf.for %scan3A_537 = %scan3A to %scan3A_233 step %scan3A_234  : i32 {
      %mul3A_538 = arith.constant 3 : i32
      %mul3A_539 = arith.muli %mul3A_538, %scan3A_537 : i32
      %add3A_540 = arith.constant 3 : i32
      %add3A_541 = arith.addi %mul3A_539, %add3A_540 : i32
      %add3A_542 = arith.constant 2 : i32
      %add3A_543 = arith.addi %add3A_541, %add3A_542 : i32
      %dma_start3A_544 = arith.constant 2 : i32
      %dma_start3A_545 = arith.constant 0 : i32
      %dma_start3A_546 = arith.constant 0 : i32
      %dma_start3A_547 = tpu.memref_slice %arg6[%dma_start3A_544, %dma_start3A_545, %dma_start3A_546] : memref<3x2x8192xf32, #tpu.memory_space<vmem>> -> memref<1x2x8192xf32, #tpu.memory_space<vmem>>
      %dma_start3A_548 = tpu.memref_squeeze %dma_start3A_547 : memref<1x2x8192xf32, #tpu.memory_space<vmem>> -> memref<2x8192xf32, #tpu.memory_space<vmem>>
      %dma_start3A_549 = arith.constant 0 : i32
      %dma_start3A_550 = tpu.memref_slice %arg5[%add3A_543, %dma_start3A_549] : memref<64x2xi32, #tpu.memory_space<vmem>> -> memref<1x2xi32, #tpu.memory_space<vmem>>
      %dma_start3A_551 = tpu.memref_squeeze %dma_start3A_550 : memref<1x2xi32, #tpu.memory_space<vmem>> -> memref<2xi32, #tpu.memory_space<vmem>>
      %dma_start3A_552 = arith.constant 0 : i32
      %dma_start3A_553 = arith.constant 0 : i32
      %dma_start3A_554 = tpu.memref_slice %arg3[%dma_start3A_552, %dma_start3A_553] : memref<8192x8192xf32, #tpu.memory_space<hbm>> -> memref<8192x8192xf32, #tpu.memory_space<hbm>>
      tpu.enqueue_indirect_dma source(%dma_start3A_554 : memref<8192x8192xf32, #tpu.memory_space<hbm>>) target(%dma_start3A_548 : memref<2x8192xf32, #tpu.memory_space<vmem>>) offsets(%dma_start3A_551 : memref<2xi32, #tpu.memory_space<vmem>>) semaphore(%arg10 : memref<!tpu.dma_semaphore, #tpu.memory_space<semaphore_mem>>)
      %dma_wait3A_555 = arith.constant 0 : i32
      %dma_wait3A_556 = arith.constant 0 : i32
      %dma_wait3A_557 = arith.constant 0 : i32
      %dma_wait3A_558 = arith.constant 0 : i32
      %dma_wait3A_559 = tpu.memref_slice %arg6[%dma_wait3A_556, %dma_wait3A_557, %dma_wait3A_558] : memref<3x2x8192xf32, #tpu.memory_space<vmem>> -> memref<1x2x8192xf32, #tpu.memory_space<vmem>>
      %dma_wait3A_560 = tpu.memref_squeeze %dma_wait3A_559 : memref<1x2x8192xf32, #tpu.memory_space<vmem>> -> memref<2x8192xf32, #tpu.memory_space<vmem>>
      %dma_wait3A_561 = arith.constant 0 : i32
      %dma_wait3A_562 = tpu.memref_slice %arg5[%dma_wait3A_555, %dma_wait3A_561] : memref<64x2xi32, #tpu.memory_space<vmem>> -> memref<1x2xi32, #tpu.memory_space<vmem>>
      %dma_wait3A_563 = tpu.memref_squeeze %dma_wait3A_562 : memref<1x2xi32, #tpu.memory_space<vmem>> -> memref<2xi32, #tpu.memory_space<vmem>>
      %dma_wait3A_564 = arith.constant 0 : i32
      %dma_wait3A_565 = arith.constant 0 : i32
      %dma_wait3A_566 = tpu.memref_slice %arg3[%dma_wait3A_564, %dma_wait3A_565] : memref<8192x8192xf32, #tpu.memory_space<hbm>> -> memref<8192x8192xf32, #tpu.memory_space<hbm>>
      tpu.wait_indirect_dma semaphore(%arg8 : memref<!tpu.dma_semaphore, #tpu.memory_space<semaphore_mem>>) src(%dma_wait3A_566 : memref<8192x8192xf32, #tpu.memory_space<hbm>>) dst(%dma_wait3A_560 : memref<2x8192xf32, #tpu.memory_space<vmem>>)
      %dma_wait3A_567 = arith.constant 0 : i32
      %dma_wait3A_568 = arith.constant 0 : i32
      %dma_wait3A_569 = tpu.memref_slice %arg4[%mul3A_2, %dma_wait3A_568] : memref<4096x8192xf32, #tpu.memory_space<hbm>> -> memref<2x8192xf32, #tpu.memory_space<hbm>>
      %dma_wait3A_570 = arith.constant 0 : i32
      %dma_wait3A_571 = arith.constant 0 : i32
      %dma_wait3A_572 = tpu.memref_slice %arg7[%arg1, %dma_wait3A_567, %dma_wait3A_570, %dma_wait3A_571] : memref<16x3x2x8192xf32, #tpu.memory_space<vmem_shared>> -> memref<1x1x2x8192xf32, #tpu.memory_space<vmem_shared>>
      %dma_wait3A_573 = tpu.memref_squeeze %dma_wait3A_572 : memref<1x1x2x8192xf32, #tpu.memory_space<vmem_shared>> -> memref<2x8192xf32, #tpu.memory_space<vmem_shared>>
      tpu.wait_dma2 semaphore(%arg14 : memref<!tpu.dma_semaphore, #tpu.memory_space<semaphore_mem>>) src(%dma_wait3A_573 : memref<2x8192xf32, #tpu.memory_space<vmem_shared>>) dst(%dma_wait3A_569 : memref<2x8192xf32, #tpu.memory_space<hbm>>)
      %dma_start3A_574 = arith.constant 0 : i32
      %dma_start3A_575 = arith.constant 0 : i32
      %dma_start3A_576 = arith.constant 0 : i32
      %dma_start3A_577 = arith.constant 0 : i32
      %dma_start3A_578 = tpu.memref_slice %arg6[%dma_start3A_574, %dma_start3A_576, %dma_start3A_577] : memref<3x2x8192xf32, #tpu.memory_space<vmem>> -> memref<1x2x8192xf32, #tpu.memory_space<vmem>>
      %dma_start3A_579 = tpu.memref_squeeze %dma_start3A_578 : memref<1x2x8192xf32, #tpu.memory_space<vmem>> -> memref<2x8192xf32, #tpu.memory_space<vmem>>
      %dma_start3A_580 = arith.constant 0 : i32
      %dma_start3A_581 = arith.constant 0 : i32
      %dma_start3A_582 = tpu.memref_slice %arg7[%arg1, %dma_start3A_575, %dma_start3A_580, %dma_start3A_581] : memref<16x3x2x8192xf32, #tpu.memory_space<vmem_shared>> -> memref<1x1x2x8192xf32, #tpu.memory_space<vmem_shared>>
      %dma_start3A_583 = tpu.memref_squeeze %dma_start3A_582 : memref<1x1x2x8192xf32, #tpu.memory_space<vmem_shared>> -> memref<2x8192xf32, #tpu.memory_space<vmem_shared>>
      %dma_start3A_584 = arith.constant 0 : i32
      %dma_start3A_585 = arith.constant 0 : i32
      %dma_start3A_586 = tpu.memref_slice %arg7[%arg1, %dma_start3A_575, %dma_start3A_584, %dma_start3A_585] : memref<16x3x2x8192xf32, #tpu.memory_space<vmem_shared>> -> memref<1x1x2x8192xf32, #tpu.memory_space<vmem_shared>>
      %dma_start3A_587 = tpu.memref_squeeze %dma_start3A_586 : memref<1x1x2x8192xf32, #tpu.memory_space<vmem_shared>> -> memref<2x8192xf32, #tpu.memory_space<vmem_shared>>
      %dma_start3A_588 = arith.constant 0 : i32
      %dma_start3A_589 = arith.constant 0 : i32
      %dma_start3A_590 = tpu.memref_slice %arg6[%dma_start3A_574, %dma_start3A_588, %dma_start3A_589] : memref<3x2x8192xf32, #tpu.memory_space<vmem>> -> memref<1x2x8192xf32, #tpu.memory_space<vmem>>
      %dma_start3A_591 = tpu.memref_squeeze %dma_start3A_590 : memref<1x2x8192xf32, #tpu.memory_space<vmem>> -> memref<2x8192xf32, #tpu.memory_space<vmem>>
      tpu.enqueue_dma source(%dma_start3A_591 : memref<2x8192xf32, #tpu.memory_space<vmem>>) target(%dma_start3A_587 : memref<2x8192xf32, #tpu.memory_space<vmem_shared>>) target_semaphore(%arg11 : memref<!tpu.dma_semaphore, #tpu.memory_space<semaphore_mem>>)
      %dma_wait3A_592 = arith.constant 0 : i32
      %dma_wait3A_593 = arith.constant 0 : i32
      %dma_wait3A_594 = arith.constant 0 : i32
      %dma_wait3A_595 = arith.constant 0 : i32
      %dma_wait3A_596 = tpu.memref_slice %arg6[%dma_wait3A_592, %dma_wait3A_594, %dma_wait3A_595] : memref<3x2x8192xf32, #tpu.memory_space<vmem>> -> memref<1x2x8192xf32, #tpu.memory_space<vmem>>
      %dma_wait3A_597 = tpu.memref_squeeze %dma_wait3A_596 : memref<1x2x8192xf32, #tpu.memory_space<vmem>> -> memref<2x8192xf32, #tpu.memory_space<vmem>>
      %dma_wait3A_598 = arith.constant 0 : i32
      %dma_wait3A_599 = arith.constant 0 : i32
      %dma_wait3A_600 = tpu.memref_slice %arg7[%arg1, %dma_wait3A_593, %dma_wait3A_598, %dma_wait3A_599] : memref<16x3x2x8192xf32, #tpu.memory_space<vmem_shared>> -> memref<1x1x2x8192xf32, #tpu.memory_space<vmem_shared>>
      %dma_wait3A_601 = tpu.memref_squeeze %dma_wait3A_600 : memref<1x1x2x8192xf32, #tpu.memory_space<vmem_shared>> -> memref<2x8192xf32, #tpu.memory_space<vmem_shared>>
      %dma_wait3A_602 = arith.constant 0 : i32
      %dma_wait3A_603 = arith.constant 0 : i32
      %dma_wait3A_604 = tpu.memref_slice %arg7[%arg1, %dma_wait3A_593, %dma_wait3A_602, %dma_wait3A_603] : memref<16x3x2x8192xf32, #tpu.memory_space<vmem_shared>> -> memref<1x1x2x8192xf32, #tpu.memory_space<vmem_shared>>
      %dma_wait3A_605 = tpu.memref_squeeze %dma_wait3A_604 : memref<1x1x2x8192xf32, #tpu.memory_space<vmem_shared>> -> memref<2x8192xf32, #tpu.memory_space<vmem_shared>>
      %dma_wait3A_606 = arith.constant 0 : i32
      %dma_wait3A_607 = arith.constant 0 : i32
      %dma_wait3A_608 = tpu.memref_slice %arg6[%dma_wait3A_592, %dma_wait3A_606, %dma_wait3A_607] : memref<3x2x8192xf32, #tpu.memory_space<vmem>> -> memref<1x2x8192xf32, #tpu.memory_space<vmem>>
      %dma_wait3A_609 = tpu.memref_squeeze %dma_wait3A_608 : memref<1x2x8192xf32, #tpu.memory_space<vmem>> -> memref<2x8192xf32, #tpu.memory_space<vmem>>
      tpu.wait_dma2 semaphore(%arg11 : memref<!tpu.dma_semaphore, #tpu.memory_space<semaphore_mem>>) src(%dma_wait3A_609 : memref<2x8192xf32, #tpu.memory_space<vmem>>) dst(%dma_wait3A_605 : memref<2x8192xf32, #tpu.memory_space<vmem_shared>>)
      %mul3A_610 = arith.constant 2 : i32
      %mul3A_611 = arith.muli %add3A_541, %mul3A_610 : i32
      %add3A_612 = arith.addi %mul3A_2, %mul3A_611 : i32
      %dma_start3A_613 = arith.constant 0 : i32
      %dma_start3A_614 = arith.constant 0 : i32
      %dma_start3A_615 = tpu.memref_slice %arg4[%add3A_612, %dma_start3A_614] : memref<4096x8192xf32, #tpu.memory_space<hbm>> -> memref<2x8192xf32, #tpu.memory_space<hbm>>
      %dma_start3A_616 = arith.constant 0 : i32
      %dma_start3A_617 = arith.constant 0 : i32
      %dma_start3A_618 = tpu.memref_slice %arg7[%arg1, %dma_start3A_613, %dma_start3A_616, %dma_start3A_617] : memref<16x3x2x8192xf32, #tpu.memory_space<vmem_shared>> -> memref<1x1x2x8192xf32, #tpu.memory_space<vmem_shared>>
      %dma_start3A_619 = tpu.memref_squeeze %dma_start3A_618 : memref<1x1x2x8192xf32, #tpu.memory_space<vmem_shared>> -> memref<2x8192xf32, #tpu.memory_space<vmem_shared>>
      tpu.enqueue_dma source(%dma_start3A_619 : memref<2x8192xf32, #tpu.memory_space<vmem_shared>>) target(%dma_start3A_615 : memref<2x8192xf32, #tpu.memory_space<hbm>>) target_semaphore(%arg14 : memref<!tpu.dma_semaphore, #tpu.memory_space<semaphore_mem>>)
      %add3A_620 = arith.constant 1 : i32
      %add3A_621 = arith.addi %add3A_541, %add3A_620 : i32
      %add3A_622 = arith.constant 2 : i32
      %add3A_623 = arith.addi %add3A_621, %add3A_622 : i32
      %dma_start3A_624 = arith.constant 0 : i32
      %dma_start3A_625 = arith.constant 0 : i32
      %dma_start3A_626 = arith.constant 0 : i32
      %dma_start3A_627 = tpu.memref_slice %arg6[%dma_start3A_624, %dma_start3A_625, %dma_start3A_626] : memref<3x2x8192xf32, #tpu.memory_space<vmem>> -> memref<1x2x8192xf32, #tpu.memory_space<vmem>>
      %dma_start3A_628 = tpu.memref_squeeze %dma_start3A_627 : memref<1x2x8192xf32, #tpu.memory_space<vmem>> -> memref<2x8192xf32, #tpu.memory_space<vmem>>
      %dma_start3A_629 = arith.constant 0 : i32
      %dma_start3A_630 = tpu.memref_slice %arg5[%add3A_623, %dma_start3A_629] : memref<64x2xi32, #tpu.memory_space<vmem>> -> memref<1x2xi32, #tpu.memory_space<vmem>>
      %dma_start3A_631 = tpu.memref_squeeze %dma_start3A_630 : memref<1x2xi32, #tpu.memory_space<vmem>> -> memref<2xi32, #tpu.memory_space<vmem>>
      %dma_start3A_632 = arith.constant 0 : i32
      %dma_start3A_633 = arith.constant 0 : i32
      %dma_start3A_634 = tpu.memref_slice %arg3[%dma_start3A_632, %dma_start3A_633] : memref<8192x8192xf32, #tpu.memory_space<hbm>> -> memref<8192x8192xf32, #tpu.memory_space<hbm>>
      tpu.enqueue_indirect_dma source(%dma_start3A_634 : memref<8192x8192xf32, #tpu.memory_space<hbm>>) target(%dma_start3A_628 : memref<2x8192xf32, #tpu.memory_space<vmem>>) offsets(%dma_start3A_631 : memref<2xi32, #tpu.memory_space<vmem>>) semaphore(%arg8 : memref<!tpu.dma_semaphore, #tpu.memory_space<semaphore_mem>>)
      %dma_wait3A_635 = arith.constant 0 : i32
      %dma_wait3A_636 = arith.constant 1 : i32
      %dma_wait3A_637 = arith.constant 0 : i32
      %dma_wait3A_638 = arith.constant 0 : i32
      %dma_wait3A_639 = tpu.memref_slice %arg6[%dma_wait3A_636, %dma_wait3A_637, %dma_wait3A_638] : memref<3x2x8192xf32, #tpu.memory_space<vmem>> -> memref<1x2x8192xf32, #tpu.memory_space<vmem>>
      %dma_wait3A_640 = tpu.memref_squeeze %dma_wait3A_639 : memref<1x2x8192xf32, #tpu.memory_space<vmem>> -> memref<2x8192xf32, #tpu.memory_space<vmem>>
      %dma_wait3A_641 = arith.constant 0 : i32
      %dma_wait3A_642 = tpu.memref_slice %arg5[%dma_wait3A_635, %dma_wait3A_641] : memref<64x2xi32, #tpu.memory_space<vmem>> -> memref<1x2xi32, #tpu.memory_space<vmem>>
      %dma_wait3A_643 = tpu.memref_squeeze %dma_wait3A_642 : memref<1x2xi32, #tpu.memory_space<vmem>> -> memref<2xi32, #tpu.memory_space<vmem>>
      %dma_wait3A_644 = arith.constant 0 : i32
      %dma_wait3A_645 = arith.constant 0 : i32
      %dma_wait3A_646 = tpu.memref_slice %arg3[%dma_wait3A_644, %dma_wait3A_645] : memref<8192x8192xf32, #tpu.memory_space<hbm>> -> memref<8192x8192xf32, #tpu.memory_space<hbm>>
      tpu.wait_indirect_dma semaphore(%arg9 : memref<!tpu.dma_semaphore, #tpu.memory_space<semaphore_mem>>) src(%dma_wait3A_646 : memref<8192x8192xf32, #tpu.memory_space<hbm>>) dst(%dma_wait3A_640 : memref<2x8192xf32, #tpu.memory_space<vmem>>)
      %dma_wait3A_647 = arith.constant 1 : i32
      %dma_wait3A_648 = arith.constant 0 : i32
      %dma_wait3A_649 = tpu.memref_slice %arg4[%mul3A_2, %dma_wait3A_648] : memref<4096x8192xf32, #tpu.memory_space<hbm>> -> memref<2x8192xf32, #tpu.memory_space<hbm>>
      %dma_wait3A_650 = arith.constant 0 : i32
      %dma_wait3A_651 = arith.constant 0 : i32
      %dma_wait3A_652 = tpu.memref_slice %arg7[%arg1, %dma_wait3A_647, %dma_wait3A_650, %dma_wait3A_651] : memref<16x3x2x8192xf32, #tpu.memory_space<vmem_shared>> -> memref<1x1x2x8192xf32, #tpu.memory_space<vmem_shared>>
      %dma_wait3A_653 = tpu.memref_squeeze %dma_wait3A_652 : memref<1x1x2x8192xf32, #tpu.memory_space<vmem_shared>> -> memref<2x8192xf32, #tpu.memory_space<vmem_shared>>
      tpu.wait_dma2 semaphore(%arg15 : memref<!tpu.dma_semaphore, #tpu.memory_space<semaphore_mem>>) src(%dma_wait3A_653 : memref<2x8192xf32, #tpu.memory_space<vmem_shared>>) dst(%dma_wait3A_649 : memref<2x8192xf32, #tpu.memory_space<hbm>>)
      %dma_start3A_654 = arith.constant 1 : i32
      %dma_start3A_655 = arith.constant 1 : i32
      %dma_start3A_656 = arith.constant 0 : i32
      %dma_start3A_657 = arith.constant 0 : i32
      %dma_start3A_658 = tpu.memref_slice %arg6[%dma_start3A_654, %dma_start3A_656, %dma_start3A_657] : memref<3x2x8192xf32, #tpu.memory_space<vmem>> -> memref<1x2x8192xf32, #tpu.memory_space<vmem>>
      %dma_start3A_659 = tpu.memref_squeeze %dma_start3A_658 : memref<1x2x8192xf32, #tpu.memory_space<vmem>> -> memref<2x8192xf32, #tpu.memory_space<vmem>>
      %dma_start3A_660 = arith.constant 0 : i32
      %dma_start3A_661 = arith.constant 0 : i32
      %dma_start3A_662 = tpu.memref_slice %arg7[%arg1, %dma_start3A_655, %dma_start3A_660, %dma_start3A_661] : memref<16x3x2x8192xf32, #tpu.memory_space<vmem_shared>> -> memref<1x1x2x8192xf32, #tpu.memory_space<vmem_shared>>
      %dma_start3A_663 = tpu.memref_squeeze %dma_start3A_662 : memref<1x1x2x8192xf32, #tpu.memory_space<vmem_shared>> -> memref<2x8192xf32, #tpu.memory_space<vmem_shared>>
      %dma_start3A_664 = arith.constant 0 : i32
      %dma_start3A_665 = arith.constant 0 : i32
      %dma_start3A_666 = tpu.memref_slice %arg7[%arg1, %dma_start3A_655, %dma_start3A_664, %dma_start3A_665] : memref<16x3x2x8192xf32, #tpu.memory_space<vmem_shared>> -> memref<1x1x2x8192xf32, #tpu.memory_space<vmem_shared>>
      %dma_start3A_667 = tpu.memref_squeeze %dma_start3A_666 : memref<1x1x2x8192xf32, #tpu.memory_space<vmem_shared>> -> memref<2x8192xf32, #tpu.memory_space<vmem_shared>>
      %dma_start3A_668 = arith.constant 0 : i32
      %dma_start3A_669 = arith.constant 0 : i32
      %dma_start3A_670 = tpu.memref_slice %arg6[%dma_start3A_654, %dma_start3A_668, %dma_start3A_669] : memref<3x2x8192xf32, #tpu.memory_space<vmem>> -> memref<1x2x8192xf32, #tpu.memory_space<vmem>>
      %dma_start3A_671 = tpu.memref_squeeze %dma_start3A_670 : memref<1x2x8192xf32, #tpu.memory_space<vmem>> -> memref<2x8192xf32, #tpu.memory_space<vmem>>
      tpu.enqueue_dma source(%dma_start3A_671 : memref<2x8192xf32, #tpu.memory_space<vmem>>) target(%dma_start3A_667 : memref<2x8192xf32, #tpu.memory_space<vmem_shared>>) target_semaphore(%arg12 : memref<!tpu.dma_semaphore, #tpu.memory_space<semaphore_mem>>)
      %dma_wait3A_672 = arith.constant 1 : i32
      %dma_wait3A_673 = arith.constant 1 : i32
      %dma_wait3A_674 = arith.constant 0 : i32
      %dma_wait3A_675 = arith.constant 0 : i32
      %dma_wait3A_676 = tpu.memref_slice %arg6[%dma_wait3A_672, %dma_wait3A_674, %dma_wait3A_675] : memref<3x2x8192xf32, #tpu.memory_space<vmem>> -> memref<1x2x8192xf32, #tpu.memory_space<vmem>>
      %dma_wait3A_677 = tpu.memref_squeeze %dma_wait3A_676 : memref<1x2x8192xf32, #tpu.memory_space<vmem>> -> memref<2x8192xf32, #tpu.memory_space<vmem>>
      %dma_wait3A_678 = arith.constant 0 : i32
      %dma_wait3A_679 = arith.constant 0 : i32
      %dma_wait3A_680 = tpu.memref_slice %arg7[%arg1, %dma_wait3A_673, %dma_wait3A_678, %dma_wait3A_679] : memref<16x3x2x8192xf32, #tpu.memory_space<vmem_shared>> -> memref<1x1x2x8192xf32, #tpu.memory_space<vmem_shared>>
      %dma_wait3A_681 = tpu.memref_squeeze %dma_wait3A_680 : memref<1x1x2x8192xf32, #tpu.memory_space<vmem_shared>> -> memref<2x8192xf32, #tpu.memory_space<vmem_shared>>
      %dma_wait3A_682 = arith.constant 0 : i32
      %dma_wait3A_683 = arith.constant 0 : i32
      %dma_wait3A_684 = tpu.memref_slice %arg7[%arg1, %dma_wait3A_673, %dma_wait3A_682, %dma_wait3A_683] : memref<16x3x2x8192xf32, #tpu.memory_space<vmem_shared>> -> memref<1x1x2x8192xf32, #tpu.memory_space<vmem_shared>>
      %dma_wait3A_685 = tpu.memref_squeeze %dma_wait3A_684 : memref<1x1x2x8192xf32, #tpu.memory_space<vmem_shared>> -> memref<2x8192xf32, #tpu.memory_space<vmem_shared>>
      %dma_wait3A_686 = arith.constant 0 : i32
      %dma_wait3A_687 = arith.constant 0 : i32
      %dma_wait3A_688 = tpu.memref_slice %arg6[%dma_wait3A_672, %dma_wait3A_686, %dma_wait3A_687] : memref<3x2x8192xf32, #tpu.memory_space<vmem>> -> memref<1x2x8192xf32, #tpu.memory_space<vmem>>
      %dma_wait3A_689 = tpu.memref_squeeze %dma_wait3A_688 : memref<1x2x8192xf32, #tpu.memory_space<vmem>> -> memref<2x8192xf32, #tpu.memory_space<vmem>>
      tpu.wait_dma2 semaphore(%arg12 : memref<!tpu.dma_semaphore, #tpu.memory_space<semaphore_mem>>) src(%dma_wait3A_689 : memref<2x8192xf32, #tpu.memory_space<vmem>>) dst(%dma_wait3A_685 : memref<2x8192xf32, #tpu.memory_space<vmem_shared>>)
      %mul3A_690 = arith.constant 2 : i32
      %mul3A_691 = arith.muli %add3A_621, %mul3A_690 : i32
      %add3A_692 = arith.addi %mul3A_2, %mul3A_691 : i32
      %dma_start3A_693 = arith.constant 1 : i32
      %dma_start3A_694 = arith.constant 0 : i32
      %dma_start3A_695 = tpu.memref_slice %arg4[%add3A_692, %dma_start3A_694] : memref<4096x8192xf32, #tpu.memory_space<hbm>> -> memref<2x8192xf32, #tpu.memory_space<hbm>>
      %dma_start3A_696 = arith.constant 0 : i32
      %dma_start3A_697 = arith.constant 0 : i32
      %dma_start3A_698 = tpu.memref_slice %arg7[%arg1, %dma_start3A_693, %dma_start3A_696, %dma_start3A_697] : memref<16x3x2x8192xf32, #tpu.memory_space<vmem_shared>> -> memref<1x1x2x8192xf32, #tpu.memory_space<vmem_shared>>
      %dma_start3A_699 = tpu.memref_squeeze %dma_start3A_698 : memref<1x1x2x8192xf32, #tpu.memory_space<vmem_shared>> -> memref<2x8192xf32, #tpu.memory_space<vmem_shared>>
      tpu.enqueue_dma source(%dma_start3A_699 : memref<2x8192xf32, #tpu.memory_space<vmem_shared>>) target(%dma_start3A_695 : memref<2x8192xf32, #tpu.memory_space<hbm>>) target_semaphore(%arg15 : memref<!tpu.dma_semaphore, #tpu.memory_space<semaphore_mem>>)
      %add3A_700 = arith.constant 2 : i32
      %add3A_701 = arith.addi %add3A_541, %add3A_700 : i32
      %add3A_702 = arith.constant 2 : i32
      %add3A_703 = arith.addi %add3A_701, %add3A_702 : i32
      %dma_start3A_704 = arith.constant 1 : i32
      %dma_start3A_705 = arith.constant 0 : i32
      %dma_start3A_706 = arith.constant 0 : i32
      %dma_start3A_707 = tpu.memref_slice %arg6[%dma_start3A_704, %dma_start3A_705, %dma_start3A_706] : memref<3x2x8192xf32, #tpu.memory_space<vmem>> -> memref<1x2x8192xf32, #tpu.memory_space<vmem>>
      %dma_start3A_708 = tpu.memref_squeeze %dma_start3A_707 : memref<1x2x8192xf32, #tpu.memory_space<vmem>> -> memref<2x8192xf32, #tpu.memory_space<vmem>>
      %dma_start3A_709 = arith.constant 0 : i32
      %dma_start3A_710 = tpu.memref_slice %arg5[%add3A_703, %dma_start3A_709] : memref<64x2xi32, #tpu.memory_space<vmem>> -> memref<1x2xi32, #tpu.memory_space<vmem>>
      %dma_start3A_711 = tpu.memref_squeeze %dma_start3A_710 : memref<1x2xi32, #tpu.memory_space<vmem>> -> memref<2xi32, #tpu.memory_space<vmem>>
      %dma_start3A_712 = arith.constant 0 : i32
      %dma_start3A_713 = arith.constant 0 : i32
      %dma_start3A_714 = tpu.memref_slice %arg3[%dma_start3A_712, %dma_start3A_713] : memref<8192x8192xf32, #tpu.memory_space<hbm>> -> memref<8192x8192xf32, #tpu.memory_space<hbm>>
      tpu.enqueue_indirect_dma source(%dma_start3A_714 : memref<8192x8192xf32, #tpu.memory_space<hbm>>) target(%dma_start3A_708 : memref<2x8192xf32, #tpu.memory_space<vmem>>) offsets(%dma_start3A_711 : memref<2xi32, #tpu.memory_space<vmem>>) semaphore(%arg9 : memref<!tpu.dma_semaphore, #tpu.memory_space<semaphore_mem>>)
      %dma_wait3A_715 = arith.constant 0 : i32
      %dma_wait3A_716 = arith.constant 2 : i32
      %dma_wait3A_717 = arith.constant 0 : i32
      %dma_wait3A_718 = arith.constant 0 : i32
      %dma_wait3A_719 = tpu.memref_slice %arg6[%dma_wait3A_716, %dma_wait3A_717, %dma_wait3A_718] : memref<3x2x8192xf32, #tpu.memory_space<vmem>> -> memref<1x2x8192xf32, #tpu.memory_space<vmem>>
      %dma_wait3A_720 = tpu.memref_squeeze %dma_wait3A_719 : memref<1x2x8192xf32, #tpu.memory_space<vmem>> -> memref<2x8192xf32, #tpu.memory_space<vmem>>
      %dma_wait3A_721 = arith.constant 0 : i32
      %dma_wait3A_722 = tpu.memref_slice %arg5[%dma_wait3A_715, %dma_wait3A_721] : memref<64x2xi32, #tpu.memory_space<vmem>> -> memref<1x2xi32, #tpu.memory_space<vmem>>
      %dma_wait3A_723 = tpu.memref_squeeze %dma_wait3A_722 : memref<1x2xi32, #tpu.memory_space<vmem>> -> memref<2xi32, #tpu.memory_space<vmem>>
      %dma_wait3A_724 = arith.constant 0 : i32
      %dma_wait3A_725 = arith.constant 0 : i32
      %dma_wait3A_726 = tpu.memref_slice %arg3[%dma_wait3A_724, %dma_wait3A_725] : memref<8192x8192xf32, #tpu.memory_space<hbm>> -> memref<8192x8192xf32, #tpu.memory_space<hbm>>
      tpu.wait_indirect_dma semaphore(%arg10 : memref<!tpu.dma_semaphore, #tpu.memory_space<semaphore_mem>>) src(%dma_wait3A_726 : memref<8192x8192xf32, #tpu.memory_space<hbm>>) dst(%dma_wait3A_720 : memref<2x8192xf32, #tpu.memory_space<vmem>>)
      %dma_wait3A_727 = arith.constant 2 : i32
      %dma_wait3A_728 = arith.constant 0 : i32
      %dma_wait3A_729 = tpu.memref_slice %arg4[%mul3A_2, %dma_wait3A_728] : memref<4096x8192xf32, #tpu.memory_space<hbm>> -> memref<2x8192xf32, #tpu.memory_space<hbm>>
      %dma_wait3A_730 = arith.constant 0 : i32
      %dma_wait3A_731 = arith.constant 0 : i32
      %dma_wait3A_732 = tpu.memref_slice %arg7[%arg1, %dma_wait3A_727, %dma_wait3A_730, %dma_wait3A_731] : memref<16x3x2x8192xf32, #tpu.memory_space<vmem_shared>> -> memref<1x1x2x8192xf32, #tpu.memory_space<vmem_shared>>
      %dma_wait3A_733 = tpu.memref_squeeze %dma_wait3A_732 : memref<1x1x2x8192xf32, #tpu.memory_space<vmem_shared>> -> memref<2x8192xf32, #tpu.memory_space<vmem_shared>>
      tpu.wait_dma2 semaphore(%arg16 : memref<!tpu.dma_semaphore, #tpu.memory_space<semaphore_mem>>) src(%dma_wait3A_733 : memref<2x8192xf32, #tpu.memory_space<vmem_shared>>) dst(%dma_wait3A_729 : memref<2x8192xf32, #tpu.memory_space<hbm>>)
      %dma_start3A_734 = arith.constant 2 : i32
      %dma_start3A_735 = arith.constant 2 : i32
      %dma_start3A_736 = arith.constant 0 : i32
      %dma_start3A_737 = arith.constant 0 : i32
      %dma_start3A_738 = tpu.memref_slice %arg6[%dma_start3A_734, %dma_start3A_736, %dma_start3A_737] : memref<3x2x8192xf32, #tpu.memory_space<vmem>> -> memref<1x2x8192xf32, #tpu.memory_space<vmem>>
      %dma_start3A_739 = tpu.memref_squeeze %dma_start3A_738 : memref<1x2x8192xf32, #tpu.memory_space<vmem>> -> memref<2x8192xf32, #tpu.memory_space<vmem>>
      %dma_start3A_740 = arith.constant 0 : i32
      %dma_start3A_741 = arith.constant 0 : i32
      %dma_start3A_742 = tpu.memref_slice %arg7[%arg1, %dma_start3A_735, %dma_start3A_740, %dma_start3A_741] : memref<16x3x2x8192xf32, #tpu.memory_space<vmem_shared>> -> memref<1x1x2x8192xf32, #tpu.memory_space<vmem_shared>>
      %dma_start3A_743 = tpu.memref_squeeze %dma_start3A_742 : memref<1x1x2x8192xf32, #tpu.memory_space<vmem_shared>> -> memref<2x8192xf32, #tpu.memory_space<vmem_shared>>
      %dma_start3A_744 = arith.constant 0 : i32
      %dma_start3A_745 = arith.constant 0 : i32
      %dma_start3A_746 = tpu.memref_slice %arg7[%arg1, %dma_start3A_735, %dma_start3A_744, %dma_start3A_745] : memref<16x3x2x8192xf32, #tpu.memory_space<vmem_shared>> -> memref<1x1x2x8192xf32, #tpu.memory_space<vmem_shared>>
      %dma_start3A_747 = tpu.memref_squeeze %dma_start3A_746 : memref<1x1x2x8192xf32, #tpu.memory_space<vmem_shared>> -> memref<2x8192xf32, #tpu.memory_space<vmem_shared>>
      %dma_start3A_748 = arith.constant 0 : i32
      %dma_start3A_749 = arith.constant 0 : i32
      %dma_start3A_750 = tpu.memref_slice %arg6[%dma_start3A_734, %dma_start3A_748, %dma_start3A_749] : memref<3x2x8192xf32, #tpu.memory_space<vmem>> -> memref<1x2x8192xf32, #tpu.memory_space<vmem>>
      %dma_start3A_751 = tpu.memref_squeeze %dma_start3A_750 : memref<1x2x8192xf32, #tpu.memory_space<vmem>> -> memref<2x8192xf32, #tpu.memory_space<vmem>>
      tpu.enqueue_dma source(%dma_start3A_751 : memref<2x8192xf32, #tpu.memory_space<vmem>>) target(%dma_start3A_747 : memref<2x8192xf32, #tpu.memory_space<vmem_shared>>) target_semaphore(%arg13 : memref<!tpu.dma_semaphore, #tpu.memory_space<semaphore_mem>>)
      %dma_wait3A_752 = arith.constant 2 : i32
      %dma_wait3A_753 = arith.constant 2 : i32
      %dma_wait3A_754 = arith.constant 0 : i32
      %dma_wait3A_755 = arith.constant 0 : i32
      %dma_wait3A_756 = tpu.memref_slice %arg6[%dma_wait3A_752, %dma_wait3A_754, %dma_wait3A_755] : memref<3x2x8192xf32, #tpu.memory_space<vmem>> -> memref<1x2x8192xf32, #tpu.memory_space<vmem>>
      %dma_wait3A_757 = tpu.memref_squeeze %dma_wait3A_756 : memref<1x2x8192xf32, #tpu.memory_space<vmem>> -> memref<2x8192xf32, #tpu.memory_space<vmem>>
      %dma_wait3A_758 = arith.constant 0 : i32
      %dma_wait3A_759 = arith.constant 0 : i32
      %dma_wait3A_760 = tpu.memref_slice %arg7[%arg1, %dma_wait3A_753, %dma_wait3A_758, %dma_wait3A_759] : memref<16x3x2x8192xf32, #tpu.memory_space<vmem_shared>> -> memref<1x1x2x8192xf32, #tpu.memory_space<vmem_shared>>
      %dma_wait3A_761 = tpu.memref_squeeze %dma_wait3A_760 : memref<1x1x2x8192xf32, #tpu.memory_space<vmem_shared>> -> memref<2x8192xf32, #tpu.memory_space<vmem_shared>>
      %dma_wait3A_762 = arith.constant 0 : i32
      %dma_wait3A_763 = arith.constant 0 : i32
      %dma_wait3A_764 = tpu.memref_slice %arg7[%arg1, %dma_wait3A_753, %dma_wait3A_762, %dma_wait3A_763] : memref<16x3x2x8192xf32, #tpu.memory_space<vmem_shared>> -> memref<1x1x2x8192xf32, #tpu.memory_space<vmem_shared>>
      %dma_wait3A_765 = tpu.memref_squeeze %dma_wait3A_764 : memref<1x1x2x8192xf32, #tpu.memory_space<vmem_shared>> -> memref<2x8192xf32, #tpu.memory_space<vmem_shared>>
      %dma_wait3A_766 = arith.constant 0 : i32
      %dma_wait3A_767 = arith.constant 0 : i32
      %dma_wait3A_768 = tpu.memref_slice %arg6[%dma_wait3A_752, %dma_wait3A_766, %dma_wait3A_767] : memref<3x2x8192xf32, #tpu.memory_space<vmem>> -> memref<1x2x8192xf32, #tpu.memory_space<vmem>>
      %dma_wait3A_769 = tpu.memref_squeeze %dma_wait3A_768 : memref<1x2x8192xf32, #tpu.memory_space<vmem>> -> memref<2x8192xf32, #tpu.memory_space<vmem>>
      tpu.wait_dma2 semaphore(%arg13 : memref<!tpu.dma_semaphore, #tpu.memory_space<semaphore_mem>>) src(%dma_wait3A_769 : memref<2x8192xf32, #tpu.memory_space<vmem>>) dst(%dma_wait3A_765 : memref<2x8192xf32, #tpu.memory_space<vmem_shared>>)
      %mul3A_770 = arith.constant 2 : i32
      %mul3A_771 = arith.muli %add3A_701, %mul3A_770 : i32
      %add3A_772 = arith.addi %mul3A_2, %mul3A_771 : i32
      %dma_start3A_773 = arith.constant 2 : i32
      %dma_start3A_774 = arith.constant 0 : i32
      %dma_start3A_775 = tpu.memref_slice %arg4[%add3A_772, %dma_start3A_774] : memref<4096x8192xf32, #tpu.memory_space<hbm>> -> memref<2x8192xf32, #tpu.memory_space<hbm>>
      %dma_start3A_776 = arith.constant 0 : i32
      %dma_start3A_777 = arith.constant 0 : i32
      %dma_start3A_778 = tpu.memref_slice %arg7[%arg1, %dma_start3A_773, %dma_start3A_776, %dma_start3A_777] : memref<16x3x2x8192xf32, #tpu.memory_space<vmem_shared>> -> memref<1x1x2x8192xf32, #tpu.memory_space<vmem_shared>>
      %dma_start3A_779 = tpu.memref_squeeze %dma_start3A_778 : memref<1x1x2x8192xf32, #tpu.memory_space<vmem_shared>> -> memref<2x8192xf32, #tpu.memory_space<vmem_shared>>
      tpu.enqueue_dma source(%dma_start3A_779 : memref<2x8192xf32, #tpu.memory_space<vmem_shared>>) target(%dma_start3A_775 : memref<2x8192xf32, #tpu.memory_space<hbm>>) target_semaphore(%arg16 : memref<!tpu.dma_semaphore, #tpu.memory_space<semaphore_mem>>)
    }
    %scan3A_235 = arith.constant 19 : i32
    %dma_start3A_236 = arith.constant 62 : i32
    %dma_start3A_237 = arith.constant 2 : i32
    %dma_start3A_238 = arith.constant 0 : i32
    %dma_start3A_239 = arith.constant 0 : i32
    %dma_start3A_240 = tpu.memref_slice %arg6[%dma_start3A_237, %dma_start3A_238, %dma_start3A_239] : memref<3x2x8192xf32, #tpu.memory_space<vmem>> -> memref<1x2x8192xf32, #tpu.memory_space<vmem>>
    %dma_start3A_241 = tpu.memref_squeeze %dma_start3A_240 : memref<1x2x8192xf32, #tpu.memory_space<vmem>> -> memref<2x8192xf32, #tpu.memory_space<vmem>>
    %dma_start3A_242 = arith.constant 0 : i32
    %dma_start3A_243 = tpu.memref_slice %arg5[%dma_start3A_236, %dma_start3A_242] : memref<64x2xi32, #tpu.memory_space<vmem>> -> memref<1x2xi32, #tpu.memory_space<vmem>>
    %dma_start3A_244 = tpu.memref_squeeze %dma_start3A_243 : memref<1x2xi32, #tpu.memory_space<vmem>> -> memref<2xi32, #tpu.memory_space<vmem>>
    %dma_start3A_245 = arith.constant 0 : i32
    %dma_start3A_246 = arith.constant 0 : i32
    %dma_start3A_247 = tpu.memref_slice %arg3[%dma_start3A_245, %dma_start3A_246] : memref<8192x8192xf32, #tpu.memory_space<hbm>> -> memref<8192x8192xf32, #tpu.memory_space<hbm>>
    tpu.enqueue_indirect_dma source(%dma_start3A_247 : memref<8192x8192xf32, #tpu.memory_space<hbm>>) target(%dma_start3A_241 : memref<2x8192xf32, #tpu.memory_space<vmem>>) offsets(%dma_start3A_244 : memref<2xi32, #tpu.memory_space<vmem>>) semaphore(%arg10 : memref<!tpu.dma_semaphore, #tpu.memory_space<semaphore_mem>>)
    %dma_wait3A_248 = arith.constant 0 : i32
    %dma_wait3A_249 = arith.constant 0 : i32
    %dma_wait3A_250 = arith.constant 0 : i32
    %dma_wait3A_251 = arith.constant 0 : i32
    %dma_wait3A_252 = tpu.memref_slice %arg6[%dma_wait3A_249, %dma_wait3A_250, %dma_wait3A_251] : memref<3x2x8192xf32, #tpu.memory_space<vmem>> -> memref<1x2x8192xf32, #tpu.memory_space<vmem>>
    %dma_wait3A_253 = tpu.memref_squeeze %dma_wait3A_252 : memref<1x2x8192xf32, #tpu.memory_space<vmem>> -> memref<2x8192xf32, #tpu.memory_space<vmem>>
    %dma_wait3A_254 = arith.constant 0 : i32
    %dma_wait3A_255 = tpu.memref_slice %arg5[%dma_wait3A_248, %dma_wait3A_254] : memref<64x2xi32, #tpu.memory_space<vmem>> -> memref<1x2xi32, #tpu.memory_space<vmem>>
    %dma_wait3A_256 = tpu.memref_squeeze %dma_wait3A_255 : memref<1x2xi32, #tpu.memory_space<vmem>> -> memref<2xi32, #tpu.memory_space<vmem>>
    %dma_wait3A_257 = arith.constant 0 : i32
    %dma_wait3A_258 = arith.constant 0 : i32
    %dma_wait3A_259 = tpu.memref_slice %arg3[%dma_wait3A_257, %dma_wait3A_258] : memref<8192x8192xf32, #tpu.memory_space<hbm>> -> memref<8192x8192xf32, #tpu.memory_space<hbm>>
    tpu.wait_indirect_dma semaphore(%arg8 : memref<!tpu.dma_semaphore, #tpu.memory_space<semaphore_mem>>) src(%dma_wait3A_259 : memref<8192x8192xf32, #tpu.memory_space<hbm>>) dst(%dma_wait3A_253 : memref<2x8192xf32, #tpu.memory_space<vmem>>)
    %dma_wait3A_260 = arith.constant 0 : i32
    %dma_wait3A_261 = arith.constant 0 : i32
    %dma_wait3A_262 = tpu.memref_slice %arg4[%mul3A_2, %dma_wait3A_261] : memref<4096x8192xf32, #tpu.memory_space<hbm>> -> memref<2x8192xf32, #tpu.memory_space<hbm>>
    %dma_wait3A_263 = arith.constant 0 : i32
    %dma_wait3A_264 = arith.constant 0 : i32
    %dma_wait3A_265 = tpu.memref_slice %arg7[%arg1, %dma_wait3A_260, %dma_wait3A_263, %dma_wait3A_264] : memref<16x3x2x8192xf32, #tpu.memory_space<vmem_shared>> -> memref<1x1x2x8192xf32, #tpu.memory_space<vmem_shared>>
    %dma_wait3A_266 = tpu.memref_squeeze %dma_wait3A_265 : memref<1x1x2x8192xf32, #tpu.memory_space<vmem_shared>> -> memref<2x8192xf32, #tpu.memory_space<vmem_shared>>
    tpu.wait_dma2 semaphore(%arg14 : memref<!tpu.dma_semaphore, #tpu.memory_space<semaphore_mem>>) src(%dma_wait3A_266 : memref<2x8192xf32, #tpu.memory_space<vmem_shared>>) dst(%dma_wait3A_262 : memref<2x8192xf32, #tpu.memory_space<hbm>>)
    %dma_start3A_267 = arith.constant 0 : i32
    %dma_start3A_268 = arith.constant 0 : i32
    %dma_start3A_269 = arith.constant 0 : i32
    %dma_start3A_270 = arith.constant 0 : i32
    %dma_start3A_271 = tpu.memref_slice %arg6[%dma_start3A_267, %dma_start3A_269, %dma_start3A_270] : memref<3x2x8192xf32, #tpu.memory_space<vmem>> -> memref<1x2x8192xf32, #tpu.memory_space<vmem>>
    %dma_start3A_272 = tpu.memref_squeeze %dma_start3A_271 : memref<1x2x8192xf32, #tpu.memory_space<vmem>> -> memref<2x8192xf32, #tpu.memory_space<vmem>>
    %dma_start3A_273 = arith.constant 0 : i32
    %dma_start3A_274 = arith.constant 0 : i32
    %dma_start3A_275 = tpu.memref_slice %arg7[%arg1, %dma_start3A_268, %dma_start3A_273, %dma_start3A_274] : memref<16x3x2x8192xf32, #tpu.memory_space<vmem_shared>> -> memref<1x1x2x8192xf32, #tpu.memory_space<vmem_shared>>
    %dma_start3A_276 = tpu.memref_squeeze %dma_start3A_275 : memref<1x1x2x8192xf32, #tpu.memory_space<vmem_shared>> -> memref<2x8192xf32, #tpu.memory_space<vmem_shared>>
    %dma_start3A_277 = arith.constant 0 : i32
    %dma_start3A_278 = arith.constant 0 : i32
    %dma_start3A_279 = tpu.memref_slice %arg7[%arg1, %dma_start3A_268, %dma_start3A_277, %dma_start3A_278] : memref<16x3x2x8192xf32, #tpu.memory_space<vmem_shared>> -> memref<1x1x2x8192xf32, #tpu.memory_space<vmem_shared>>
    %dma_start3A_280 = tpu.memref_squeeze %dma_start3A_279 : memref<1x1x2x8192xf32, #tpu.memory_space<vmem_shared>> -> memref<2x8192xf32, #tpu.memory_space<vmem_shared>>
    %dma_start3A_281 = arith.constant 0 : i32
    %dma_start3A_282 = arith.constant 0 : i32
    %dma_start3A_283 = tpu.memref_slice %arg6[%dma_start3A_267, %dma_start3A_281, %dma_start3A_282] : memref<3x2x8192xf32, #tpu.memory_space<vmem>> -> memref<1x2x8192xf32, #tpu.memory_space<vmem>>
    %dma_start3A_284 = tpu.memref_squeeze %dma_start3A_283 : memref<1x2x8192xf32, #tpu.memory_space<vmem>> -> memref<2x8192xf32, #tpu.memory_space<vmem>>
    tpu.enqueue_dma source(%dma_start3A_284 : memref<2x8192xf32, #tpu.memory_space<vmem>>) target(%dma_start3A_280 : memref<2x8192xf32, #tpu.memory_space<vmem_shared>>) target_semaphore(%arg11 : memref<!tpu.dma_semaphore, #tpu.memory_space<semaphore_mem>>)
    %dma_wait3A_285 = arith.constant 0 : i32
    %dma_wait3A_286 = arith.constant 0 : i32
    %dma_wait3A_287 = arith.constant 0 : i32
    %dma_wait3A_288 = arith.constant 0 : i32
    %dma_wait3A_289 = tpu.memref_slice %arg6[%dma_wait3A_285, %dma_wait3A_287, %dma_wait3A_288] : memref<3x2x8192xf32, #tpu.memory_space<vmem>> -> memref<1x2x8192xf32, #tpu.memory_space<vmem>>
    %dma_wait3A_290 = tpu.memref_squeeze %dma_wait3A_289 : memref<1x2x8192xf32, #tpu.memory_space<vmem>> -> memref<2x8192xf32, #tpu.memory_space<vmem>>
    %dma_wait3A_291 = arith.constant 0 : i32
    %dma_wait3A_292 = arith.constant 0 : i32
    %dma_wait3A_293 = tpu.memref_slice %arg7[%arg1, %dma_wait3A_286, %dma_wait3A_291, %dma_wait3A_292] : memref<16x3x2x8192xf32, #tpu.memory_space<vmem_shared>> -> memref<1x1x2x8192xf32, #tpu.memory_space<vmem_shared>>
    %dma_wait3A_294 = tpu.memref_squeeze %dma_wait3A_293 : memref<1x1x2x8192xf32, #tpu.memory_space<vmem_shared>> -> memref<2x8192xf32, #tpu.memory_space<vmem_shared>>
    %dma_wait3A_295 = arith.constant 0 : i32
    %dma_wait3A_296 = arith.constant 0 : i32
    %dma_wait3A_297 = tpu.memref_slice %arg7[%arg1, %dma_wait3A_286, %dma_wait3A_295, %dma_wait3A_296] : memref<16x3x2x8192xf32, #tpu.memory_space<vmem_shared>> -> memref<1x1x2x8192xf32, #tpu.memory_space<vmem_shared>>
    %dma_wait3A_298 = tpu.memref_squeeze %dma_wait3A_297 : memref<1x1x2x8192xf32, #tpu.memory_space<vmem_shared>> -> memref<2x8192xf32, #tpu.memory_space<vmem_shared>>
    %dma_wait3A_299 = arith.constant 0 : i32
    %dma_wait3A_300 = arith.constant 0 : i32
    %dma_wait3A_301 = tpu.memref_slice %arg6[%dma_wait3A_285, %dma_wait3A_299, %dma_wait3A_300] : memref<3x2x8192xf32, #tpu.memory_space<vmem>> -> memref<1x2x8192xf32, #tpu.memory_space<vmem>>
    %dma_wait3A_302 = tpu.memref_squeeze %dma_wait3A_301 : memref<1x2x8192xf32, #tpu.memory_space<vmem>> -> memref<2x8192xf32, #tpu.memory_space<vmem>>
    tpu.wait_dma2 semaphore(%arg11 : memref<!tpu.dma_semaphore, #tpu.memory_space<semaphore_mem>>) src(%dma_wait3A_302 : memref<2x8192xf32, #tpu.memory_space<vmem>>) dst(%dma_wait3A_298 : memref<2x8192xf32, #tpu.memory_space<vmem_shared>>)
    %add3A_303 = arith.constant 120 : i32
    %add3A_304 = arith.addi %mul3A_2, %add3A_303 : i32
    %dma_start3A_305 = arith.constant 0 : i32
    %dma_start3A_306 = arith.constant 0 : i32
    %dma_start3A_307 = tpu.memref_slice %arg4[%add3A_304, %dma_start3A_306] : memref<4096x8192xf32, #tpu.memory_space<hbm>> -> memref<2x8192xf32, #tpu.memory_space<hbm>>
    %dma_start3A_308 = arith.constant 0 : i32
    %dma_start3A_309 = arith.constant 0 : i32
    %dma_start3A_310 = tpu.memref_slice %arg7[%arg1, %dma_start3A_305, %dma_start3A_308, %dma_start3A_309] : memref<16x3x2x8192xf32, #tpu.memory_space<vmem_shared>> -> memref<1x1x2x8192xf32, #tpu.memory_space<vmem_shared>>
    %dma_start3A_311 = tpu.memref_squeeze %dma_start3A_310 : memref<1x1x2x8192xf32, #tpu.memory_space<vmem_shared>> -> memref<2x8192xf32, #tpu.memory_space<vmem_shared>>
    tpu.enqueue_dma source(%dma_start3A_311 : memref<2x8192xf32, #tpu.memory_space<vmem_shared>>) target(%dma_start3A_307 : memref<2x8192xf32, #tpu.memory_space<hbm>>) target_semaphore(%arg14 : memref<!tpu.dma_semaphore, #tpu.memory_space<semaphore_mem>>)
    %dma_start3A_312 = arith.constant 63 : i32
    %dma_start3A_313 = arith.constant 0 : i32
    %dma_start3A_314 = arith.constant 0 : i32
    %dma_start3A_315 = arith.constant 0 : i32
    %dma_start3A_316 = tpu.memref_slice %arg6[%dma_start3A_313, %dma_start3A_314, %dma_start3A_315] : memref<3x2x8192xf32, #tpu.memory_space<vmem>> -> memref<1x2x8192xf32, #tpu.memory_space<vmem>>
    %dma_start3A_317 = tpu.memref_squeeze %dma_start3A_316 : memref<1x2x8192xf32, #tpu.memory_space<vmem>> -> memref<2x8192xf32, #tpu.memory_space<vmem>>
    %dma_start3A_318 = arith.constant 0 : i32
    %dma_start3A_319 = tpu.memref_slice %arg5[%dma_start3A_312, %dma_start3A_318] : memref<64x2xi32, #tpu.memory_space<vmem>> -> memref<1x2xi32, #tpu.memory_space<vmem>>
    %dma_start3A_320 = tpu.memref_squeeze %dma_start3A_319 : memref<1x2xi32, #tpu.memory_space<vmem>> -> memref<2xi32, #tpu.memory_space<vmem>>
    %dma_start3A_321 = arith.constant 0 : i32
    %dma_start3A_322 = arith.constant 0 : i32
    %dma_start3A_323 = tpu.memref_slice %arg3[%dma_start3A_321, %dma_start3A_322] : memref<8192x8192xf32, #tpu.memory_space<hbm>> -> memref<8192x8192xf32, #tpu.memory_space<hbm>>
    tpu.enqueue_indirect_dma source(%dma_start3A_323 : memref<8192x8192xf32, #tpu.memory_space<hbm>>) target(%dma_start3A_317 : memref<2x8192xf32, #tpu.memory_space<vmem>>) offsets(%dma_start3A_320 : memref<2xi32, #tpu.memory_space<vmem>>) semaphore(%arg8 : memref<!tpu.dma_semaphore, #tpu.memory_space<semaphore_mem>>)
    %dma_wait3A_324 = arith.constant 0 : i32
    %dma_wait3A_325 = arith.constant 1 : i32
    %dma_wait3A_326 = arith.constant 0 : i32
    %dma_wait3A_327 = arith.constant 0 : i32
    %dma_wait3A_328 = tpu.memref_slice %arg6[%dma_wait3A_325, %dma_wait3A_326, %dma_wait3A_327] : memref<3x2x8192xf32, #tpu.memory_space<vmem>> -> memref<1x2x8192xf32, #tpu.memory_space<vmem>>
    %dma_wait3A_329 = tpu.memref_squeeze %dma_wait3A_328 : memref<1x2x8192xf32, #tpu.memory_space<vmem>> -> memref<2x8192xf32, #tpu.memory_space<vmem>>
    %dma_wait3A_330 = arith.constant 0 : i32
    %dma_wait3A_331 = tpu.memref_slice %arg5[%dma_wait3A_324, %dma_wait3A_330] : memref<64x2xi32, #tpu.memory_space<vmem>> -> memref<1x2xi32, #tpu.memory_space<vmem>>
    %dma_wait3A_332 = tpu.memref_squeeze %dma_wait3A_331 : memref<1x2xi32, #tpu.memory_space<vmem>> -> memref<2xi32, #tpu.memory_space<vmem>>
    %dma_wait3A_333 = arith.constant 0 : i32
    %dma_wait3A_334 = arith.constant 0 : i32
    %dma_wait3A_335 = tpu.memref_slice %arg3[%dma_wait3A_333, %dma_wait3A_334] : memref<8192x8192xf32, #tpu.memory_space<hbm>> -> memref<8192x8192xf32, #tpu.memory_space<hbm>>
    tpu.wait_indirect_dma semaphore(%arg9 : memref<!tpu.dma_semaphore, #tpu.memory_space<semaphore_mem>>) src(%dma_wait3A_335 : memref<8192x8192xf32, #tpu.memory_space<hbm>>) dst(%dma_wait3A_329 : memref<2x8192xf32, #tpu.memory_space<vmem>>)
    %dma_wait3A_336 = arith.constant 1 : i32
    %dma_wait3A_337 = arith.constant 0 : i32
    %dma_wait3A_338 = tpu.memref_slice %arg4[%mul3A_2, %dma_wait3A_337] : memref<4096x8192xf32, #tpu.memory_space<hbm>> -> memref<2x8192xf32, #tpu.memory_space<hbm>>
    %dma_wait3A_339 = arith.constant 0 : i32
    %dma_wait3A_340 = arith.constant 0 : i32
    %dma_wait3A_341 = tpu.memref_slice %arg7[%arg1, %dma_wait3A_336, %dma_wait3A_339, %dma_wait3A_340] : memref<16x3x2x8192xf32, #tpu.memory_space<vmem_shared>> -> memref<1x1x2x8192xf32, #tpu.memory_space<vmem_shared>>
    %dma_wait3A_342 = tpu.memref_squeeze %dma_wait3A_341 : memref<1x1x2x8192xf32, #tpu.memory_space<vmem_shared>> -> memref<2x8192xf32, #tpu.memory_space<vmem_shared>>
    tpu.wait_dma2 semaphore(%arg15 : memref<!tpu.dma_semaphore, #tpu.memory_space<semaphore_mem>>) src(%dma_wait3A_342 : memref<2x8192xf32, #tpu.memory_space<vmem_shared>>) dst(%dma_wait3A_338 : memref<2x8192xf32, #tpu.memory_space<hbm>>)
    %dma_start3A_343 = arith.constant 1 : i32
    %dma_start3A_344 = arith.constant 1 : i32
    %dma_start3A_345 = arith.constant 0 : i32
    %dma_start3A_346 = arith.constant 0 : i32
    %dma_start3A_347 = tpu.memref_slice %arg6[%dma_start3A_343, %dma_start3A_345, %dma_start3A_346] : memref<3x2x8192xf32, #tpu.memory_space<vmem>> -> memref<1x2x8192xf32, #tpu.memory_space<vmem>>
    %dma_start3A_348 = tpu.memref_squeeze %dma_start3A_347 : memref<1x2x8192xf32, #tpu.memory_space<vmem>> -> memref<2x8192xf32, #tpu.memory_space<vmem>>
    %dma_start3A_349 = arith.constant 0 : i32
    %dma_start3A_350 = arith.constant 0 : i32
    %dma_start3A_351 = tpu.memref_slice %arg7[%arg1, %dma_start3A_344, %dma_start3A_349, %dma_start3A_350] : memref<16x3x2x8192xf32, #tpu.memory_space<vmem_shared>> -> memref<1x1x2x8192xf32, #tpu.memory_space<vmem_shared>>
    %dma_start3A_352 = tpu.memref_squeeze %dma_start3A_351 : memref<1x1x2x8192xf32, #tpu.memory_space<vmem_shared>> -> memref<2x8192xf32, #tpu.memory_space<vmem_shared>>
    %dma_start3A_353 = arith.constant 0 : i32
    %dma_start3A_354 = arith.constant 0 : i32
    %dma_start3A_355 = tpu.memref_slice %arg7[%arg1, %dma_start3A_344, %dma_start3A_353, %dma_start3A_354] : memref<16x3x2x8192xf32, #tpu.memory_space<vmem_shared>> -> memref<1x1x2x8192xf32, #tpu.memory_space<vmem_shared>>
    %dma_start3A_356 = tpu.memref_squeeze %dma_start3A_355 : memref<1x1x2x8192xf32, #tpu.memory_space<vmem_shared>> -> memref<2x8192xf32, #tpu.memory_space<vmem_shared>>
    %dma_start3A_357 = arith.constant 0 : i32
    %dma_start3A_358 = arith.constant 0 : i32
    %dma_start3A_359 = tpu.memref_slice %arg6[%dma_start3A_343, %dma_start3A_357, %dma_start3A_358] : memref<3x2x8192xf32, #tpu.memory_space<vmem>> -> memref<1x2x8192xf32, #tpu.memory_space<vmem>>
    %dma_start3A_360 = tpu.memref_squeeze %dma_start3A_359 : memref<1x2x8192xf32, #tpu.memory_space<vmem>> -> memref<2x8192xf32, #tpu.memory_space<vmem>>
    tpu.enqueue_dma source(%dma_start3A_360 : memref<2x8192xf32, #tpu.memory_space<vmem>>) target(%dma_start3A_356 : memref<2x8192xf32, #tpu.memory_space<vmem_shared>>) target_semaphore(%arg12 : memref<!tpu.dma_semaphore, #tpu.memory_space<semaphore_mem>>)
    %dma_wait3A_361 = arith.constant 1 : i32
    %dma_wait3A_362 = arith.constant 1 : i32
    %dma_wait3A_363 = arith.constant 0 : i32
    %dma_wait3A_364 = arith.constant 0 : i32
    %dma_wait3A_365 = tpu.memref_slice %arg6[%dma_wait3A_361, %dma_wait3A_363, %dma_wait3A_364] : memref<3x2x8192xf32, #tpu.memory_space<vmem>> -> memref<1x2x8192xf32, #tpu.memory_space<vmem>>
    %dma_wait3A_366 = tpu.memref_squeeze %dma_wait3A_365 : memref<1x2x8192xf32, #tpu.memory_space<vmem>> -> memref<2x8192xf32, #tpu.memory_space<vmem>>
    %dma_wait3A_367 = arith.constant 0 : i32
    %dma_wait3A_368 = arith.constant 0 : i32
    %dma_wait3A_369 = tpu.memref_slice %arg7[%arg1, %dma_wait3A_362, %dma_wait3A_367, %dma_wait3A_368] : memref<16x3x2x8192xf32, #tpu.memory_space<vmem_shared>> -> memref<1x1x2x8192xf32, #tpu.memory_space<vmem_shared>>
    %dma_wait3A_370 = tpu.memref_squeeze %dma_wait3A_369 : memref<1x1x2x8192xf32, #tpu.memory_space<vmem_shared>> -> memref<2x8192xf32, #tpu.memory_space<vmem_shared>>
    %dma_wait3A_371 = arith.constant 0 : i32
    %dma_wait3A_372 = arith.constant 0 : i32
    %dma_wait3A_373 = tpu.memref_slice %arg7[%arg1, %dma_wait3A_362, %dma_wait3A_371, %dma_wait3A_372] : memref<16x3x2x8192xf32, #tpu.memory_space<vmem_shared>> -> memref<1x1x2x8192xf32, #tpu.memory_space<vmem_shared>>
    %dma_wait3A_374 = tpu.memref_squeeze %dma_wait3A_373 : memref<1x1x2x8192xf32, #tpu.memory_space<vmem_shared>> -> memref<2x8192xf32, #tpu.memory_space<vmem_shared>>
    %dma_wait3A_375 = arith.constant 0 : i32
    %dma_wait3A_376 = arith.constant 0 : i32
    %dma_wait3A_377 = tpu.memref_slice %arg6[%dma_wait3A_361, %dma_wait3A_375, %dma_wait3A_376] : memref<3x2x8192xf32, #tpu.memory_space<vmem>> -> memref<1x2x8192xf32, #tpu.memory_space<vmem>>
    %dma_wait3A_378 = tpu.memref_squeeze %dma_wait3A_377 : memref<1x2x8192xf32, #tpu.memory_space<vmem>> -> memref<2x8192xf32, #tpu.memory_space<vmem>>
    tpu.wait_dma2 semaphore(%arg12 : memref<!tpu.dma_semaphore, #tpu.memory_space<semaphore_mem>>) src(%dma_wait3A_378 : memref<2x8192xf32, #tpu.memory_space<vmem>>) dst(%dma_wait3A_374 : memref<2x8192xf32, #tpu.memory_space<vmem_shared>>)
    %add3A_379 = arith.constant 122 : i32
    %add3A_380 = arith.addi %mul3A_2, %add3A_379 : i32
    %dma_start3A_381 = arith.constant 1 : i32
    %dma_start3A_382 = arith.constant 0 : i32
    %dma_start3A_383 = tpu.memref_slice %arg4[%add3A_380, %dma_start3A_382] : memref<4096x8192xf32, #tpu.memory_space<hbm>> -> memref<2x8192xf32, #tpu.memory_space<hbm>>
    %dma_start3A_384 = arith.constant 0 : i32
    %dma_start3A_385 = arith.constant 0 : i32
    %dma_start3A_386 = tpu.memref_slice %arg7[%arg1, %dma_start3A_381, %dma_start3A_384, %dma_start3A_385] : memref<16x3x2x8192xf32, #tpu.memory_space<vmem_shared>> -> memref<1x1x2x8192xf32, #tpu.memory_space<vmem_shared>>
    %dma_start3A_387 = tpu.memref_squeeze %dma_start3A_386 : memref<1x1x2x8192xf32, #tpu.memory_space<vmem_shared>> -> memref<2x8192xf32, #tpu.memory_space<vmem_shared>>
    tpu.enqueue_dma source(%dma_start3A_387 : memref<2x8192xf32, #tpu.memory_space<vmem_shared>>) target(%dma_start3A_383 : memref<2x8192xf32, #tpu.memory_space<hbm>>) target_semaphore(%arg15 : memref<!tpu.dma_semaphore, #tpu.memory_space<semaphore_mem>>)
    %dma_wait3A_388 = arith.constant 0 : i32
    %dma_wait3A_389 = arith.constant 2 : i32
    %dma_wait3A_390 = arith.constant 0 : i32
    %dma_wait3A_391 = arith.constant 0 : i32
    %dma_wait3A_392 = tpu.memref_slice %arg6[%dma_wait3A_389, %dma_wait3A_390, %dma_wait3A_391] : memref<3x2x8192xf32, #tpu.memory_space<vmem>> -> memref<1x2x8192xf32, #tpu.memory_space<vmem>>
    %dma_wait3A_393 = tpu.memref_squeeze %dma_wait3A_392 : memref<1x2x8192xf32, #tpu.memory_space<vmem>> -> memref<2x8192xf32, #tpu.memory_space<vmem>>
    %dma_wait3A_394 = arith.constant 0 : i32
    %dma_wait3A_395 = tpu.memref_slice %arg5[%dma_wait3A_388, %dma_wait3A_394] : memref<64x2xi32, #tpu.memory_space<vmem>> -> memref<1x2xi32, #tpu.memory_space<vmem>>
    %dma_wait3A_396 = tpu.memref_squeeze %dma_wait3A_395 : memref<1x2xi32, #tpu.memory_space<vmem>> -> memref<2xi32, #tpu.memory_space<vmem>>
    %dma_wait3A_397 = arith.constant 0 : i32
    %dma_wait3A_398 = arith.constant 0 : i32
    %dma_wait3A_399 = tpu.memref_slice %arg3[%dma_wait3A_397, %dma_wait3A_398] : memref<8192x8192xf32, #tpu.memory_space<hbm>> -> memref<8192x8192xf32, #tpu.memory_space<hbm>>
    tpu.wait_indirect_dma semaphore(%arg10 : memref<!tpu.dma_semaphore, #tpu.memory_space<semaphore_mem>>) src(%dma_wait3A_399 : memref<8192x8192xf32, #tpu.memory_space<hbm>>) dst(%dma_wait3A_393 : memref<2x8192xf32, #tpu.memory_space<vmem>>)
    %dma_wait3A_400 = arith.constant 2 : i32
    %dma_wait3A_401 = arith.constant 0 : i32
    %dma_wait3A_402 = tpu.memref_slice %arg4[%mul3A_2, %dma_wait3A_401] : memref<4096x8192xf32, #tpu.memory_space<hbm>> -> memref<2x8192xf32, #tpu.memory_space<hbm>>
    %dma_wait3A_403 = arith.constant 0 : i32
    %dma_wait3A_404 = arith.constant 0 : i32
    %dma_wait3A_405 = tpu.memref_slice %arg7[%arg1, %dma_wait3A_400, %dma_wait3A_403, %dma_wait3A_404] : memref<16x3x2x8192xf32, #tpu.memory_space<vmem_shared>> -> memref<1x1x2x8192xf32, #tpu.memory_space<vmem_shared>>
    %dma_wait3A_406 = tpu.memref_squeeze %dma_wait3A_405 : memref<1x1x2x8192xf32, #tpu.memory_space<vmem_shared>> -> memref<2x8192xf32, #tpu.memory_space<vmem_shared>>
    tpu.wait_dma2 semaphore(%arg16 : memref<!tpu.dma_semaphore, #tpu.memory_space<semaphore_mem>>) src(%dma_wait3A_406 : memref<2x8192xf32, #tpu.memory_space<vmem_shared>>) dst(%dma_wait3A_402 : memref<2x8192xf32, #tpu.memory_space<hbm>>)
    %dma_start3A_407 = arith.constant 2 : i32
    %dma_start3A_408 = arith.constant 2 : i32
    %dma_start3A_409 = arith.constant 0 : i32
    %dma_start3A_410 = arith.constant 0 : i32
    %dma_start3A_411 = tpu.memref_slice %arg6[%dma_start3A_407, %dma_start3A_409, %dma_start3A_410] : memref<3x2x8192xf32, #tpu.memory_space<vmem>> -> memref<1x2x8192xf32, #tpu.memory_space<vmem>>
    %dma_start3A_412 = tpu.memref_squeeze %dma_start3A_411 : memref<1x2x8192xf32, #tpu.memory_space<vmem>> -> memref<2x8192xf32, #tpu.memory_space<vmem>>
    %dma_start3A_413 = arith.constant 0 : i32
    %dma_start3A_414 = arith.constant 0 : i32
    %dma_start3A_415 = tpu.memref_slice %arg7[%arg1, %dma_start3A_408, %dma_start3A_413, %dma_start3A_414] : memref<16x3x2x8192xf32, #tpu.memory_space<vmem_shared>> -> memref<1x1x2x8192xf32, #tpu.memory_space<vmem_shared>>
    %dma_start3A_416 = tpu.memref_squeeze %dma_start3A_415 : memref<1x1x2x8192xf32, #tpu.memory_space<vmem_shared>> -> memref<2x8192xf32, #tpu.memory_space<vmem_shared>>
    %dma_start3A_417 = arith.constant 0 : i32
    %dma_start3A_418 = arith.constant 0 : i32
    %dma_start3A_419 = tpu.memref_slice %arg7[%arg1, %dma_start3A_408, %dma_start3A_417, %dma_start3A_418] : memref<16x3x2x8192xf32, #tpu.memory_space<vmem_shared>> -> memref<1x1x2x8192xf32, #tpu.memory_space<vmem_shared>>
    %dma_start3A_420 = tpu.memref_squeeze %dma_start3A_419 : memref<1x1x2x8192xf32, #tpu.memory_space<vmem_shared>> -> memref<2x8192xf32, #tpu.memory_space<vmem_shared>>
    %dma_start3A_421 = arith.constant 0 : i32
    %dma_start3A_422 = arith.constant 0 : i32
    %dma_start3A_423 = tpu.memref_slice %arg6[%dma_start3A_407, %dma_start3A_421, %dma_start3A_422] : memref<3x2x8192xf32, #tpu.memory_space<vmem>> -> memref<1x2x8192xf32, #tpu.memory_space<vmem>>
    %dma_start3A_424 = tpu.memref_squeeze %dma_start3A_423 : memref<1x2x8192xf32, #tpu.memory_space<vmem>> -> memref<2x8192xf32, #tpu.memory_space<vmem>>
    tpu.enqueue_dma source(%dma_start3A_424 : memref<2x8192xf32, #tpu.memory_space<vmem>>) target(%dma_start3A_420 : memref<2x8192xf32, #tpu.memory_space<vmem_shared>>) target_semaphore(%arg13 : memref<!tpu.dma_semaphore, #tpu.memory_space<semaphore_mem>>)
    %dma_wait3A_425 = arith.constant 2 : i32
    %dma_wait3A_426 = arith.constant 2 : i32
    %dma_wait3A_427 = arith.constant 0 : i32
    %dma_wait3A_428 = arith.constant 0 : i32
    %dma_wait3A_429 = tpu.memref_slice %arg6[%dma_wait3A_425, %dma_wait3A_427, %dma_wait3A_428] : memref<3x2x8192xf32, #tpu.memory_space<vmem>> -> memref<1x2x8192xf32, #tpu.memory_space<vmem>>
    %dma_wait3A_430 = tpu.memref_squeeze %dma_wait3A_429 : memref<1x2x8192xf32, #tpu.memory_space<vmem>> -> memref<2x8192xf32, #tpu.memory_space<vmem>>
    %dma_wait3A_431 = arith.constant 0 : i32
    %dma_wait3A_432 = arith.constant 0 : i32
    %dma_wait3A_433 = tpu.memref_slice %arg7[%arg1, %dma_wait3A_426, %dma_wait3A_431, %dma_wait3A_432] : memref<16x3x2x8192xf32, #tpu.memory_space<vmem_shared>> -> memref<1x1x2x8192xf32, #tpu.memory_space<vmem_shared>>
    %dma_wait3A_434 = tpu.memref_squeeze %dma_wait3A_433 : memref<1x1x2x8192xf32, #tpu.memory_space<vmem_shared>> -> memref<2x8192xf32, #tpu.memory_space<vmem_shared>>
    %dma_wait3A_435 = arith.constant 0 : i32
    %dma_wait3A_436 = arith.constant 0 : i32
    %dma_wait3A_437 = tpu.memref_slice %arg7[%arg1, %dma_wait3A_426, %dma_wait3A_435, %dma_wait3A_436] : memref<16x3x2x8192xf32, #tpu.memory_space<vmem_shared>> -> memref<1x1x2x8192xf32, #tpu.memory_space<vmem_shared>>
    %dma_wait3A_438 = tpu.memref_squeeze %dma_wait3A_437 : memref<1x1x2x8192xf32, #tpu.memory_space<vmem_shared>> -> memref<2x8192xf32, #tpu.memory_space<vmem_shared>>
    %dma_wait3A_439 = arith.constant 0 : i32
    %dma_wait3A_440 = arith.constant 0 : i32
    %dma_wait3A_441 = tpu.memref_slice %arg6[%dma_wait3A_425, %dma_wait3A_439, %dma_wait3A_440] : memref<3x2x8192xf32, #tpu.memory_space<vmem>> -> memref<1x2x8192xf32, #tpu.memory_space<vmem>>
    %dma_wait3A_442 = tpu.memref_squeeze %dma_wait3A_441 : memref<1x2x8192xf32, #tpu.memory_space<vmem>> -> memref<2x8192xf32, #tpu.memory_space<vmem>>
    tpu.wait_dma2 semaphore(%arg13 : memref<!tpu.dma_semaphore, #tpu.memory_space<semaphore_mem>>) src(%dma_wait3A_442 : memref<2x8192xf32, #tpu.memory_space<vmem>>) dst(%dma_wait3A_438 : memref<2x8192xf32, #tpu.memory_space<vmem_shared>>)
    %add3A_443 = arith.constant 124 : i32
    %add3A_444 = arith.addi %mul3A_2, %add3A_443 : i32
    %dma_start3A_445 = arith.constant 2 : i32
    %dma_start3A_446 = arith.constant 0 : i32
    %dma_start3A_447 = tpu.memref_slice %arg4[%add3A_444, %dma_start3A_446] : memref<4096x8192xf32, #tpu.memory_space<hbm>> -> memref<2x8192xf32, #tpu.memory_space<hbm>>
    %dma_start3A_448 = arith.constant 0 : i32
    %dma_start3A_449 = arith.constant 0 : i32
    %dma_start3A_450 = tpu.memref_slice %arg7[%arg1, %dma_start3A_445, %dma_start3A_448, %dma_start3A_449] : memref<16x3x2x8192xf32, #tpu.memory_space<vmem_shared>> -> memref<1x1x2x8192xf32, #tpu.memory_space<vmem_shared>>
    %dma_start3A_451 = tpu.memref_squeeze %dma_start3A_450 : memref<1x1x2x8192xf32, #tpu.memory_space<vmem_shared>> -> memref<2x8192xf32, #tpu.memory_space<vmem_shared>>
    tpu.enqueue_dma source(%dma_start3A_451 : memref<2x8192xf32, #tpu.memory_space<vmem_shared>>) target(%dma_start3A_447 : memref<2x8192xf32, #tpu.memory_space<hbm>>) target_semaphore(%arg16 : memref<!tpu.dma_semaphore, #tpu.memory_space<semaphore_mem>>)
    %dma_wait3A_452 = arith.constant 0 : i32
    %dma_wait3A_453 = arith.constant 0 : i32
    %dma_wait3A_454 = arith.constant 0 : i32
    %dma_wait3A_455 = arith.constant 0 : i32
    %dma_wait3A_456 = tpu.memref_slice %arg6[%dma_wait3A_453, %dma_wait3A_454, %dma_wait3A_455] : memref<3x2x8192xf32, #tpu.memory_space<vmem>> -> memref<1x2x8192xf32, #tpu.memory_space<vmem>>
    %dma_wait3A_457 = tpu.memref_squeeze %dma_wait3A_456 : memref<1x2x8192xf32, #tpu.memory_space<vmem>> -> memref<2x8192xf32, #tpu.memory_space<vmem>>
    %dma_wait3A_458 = arith.constant 0 : i32
    %dma_wait3A_459 = tpu.memref_slice %arg5[%dma_wait3A_452, %dma_wait3A_458] : memref<64x2xi32, #tpu.memory_space<vmem>> -> memref<1x2xi32, #tpu.memory_space<vmem>>
    %dma_wait3A_460 = tpu.memref_squeeze %dma_wait3A_459 : memref<1x2xi32, #tpu.memory_space<vmem>> -> memref<2xi32, #tpu.memory_space<vmem>>
    %dma_wait3A_461 = arith.constant 0 : i32
    %dma_wait3A_462 = arith.constant 0 : i32
    %dma_wait3A_463 = tpu.memref_slice %arg3[%dma_wait3A_461, %dma_wait3A_462] : memref<8192x8192xf32, #tpu.memory_space<hbm>> -> memref<8192x8192xf32, #tpu.memory_space<hbm>>
    tpu.wait_indirect_dma semaphore(%arg8 : memref<!tpu.dma_semaphore, #tpu.memory_space<semaphore_mem>>) src(%dma_wait3A_463 : memref<8192x8192xf32, #tpu.memory_space<hbm>>) dst(%dma_wait3A_457 : memref<2x8192xf32, #tpu.memory_space<vmem>>)
    %dma_wait3A_464 = arith.constant 0 : i32
    %dma_wait3A_465 = arith.constant 0 : i32
    %dma_wait3A_466 = tpu.memref_slice %arg4[%mul3A_2, %dma_wait3A_465] : memref<4096x8192xf32, #tpu.memory_space<hbm>> -> memref<2x8192xf32, #tpu.memory_space<hbm>>
    %dma_wait3A_467 = arith.constant 0 : i32
    %dma_wait3A_468 = arith.constant 0 : i32
    %dma_wait3A_469 = tpu.memref_slice %arg7[%arg1, %dma_wait3A_464, %dma_wait3A_467, %dma_wait3A_468] : memref<16x3x2x8192xf32, #tpu.memory_space<vmem_shared>> -> memref<1x1x2x8192xf32, #tpu.memory_space<vmem_shared>>
    %dma_wait3A_470 = tpu.memref_squeeze %dma_wait3A_469 : memref<1x1x2x8192xf32, #tpu.memory_space<vmem_shared>> -> memref<2x8192xf32, #tpu.memory_space<vmem_shared>>
    tpu.wait_dma2 semaphore(%arg14 : memref<!tpu.dma_semaphore, #tpu.memory_space<semaphore_mem>>) src(%dma_wait3A_470 : memref<2x8192xf32, #tpu.memory_space<vmem_shared>>) dst(%dma_wait3A_466 : memref<2x8192xf32, #tpu.memory_space<hbm>>)
    %dma_start3A_471 = arith.constant 0 : i32
    %dma_start3A_472 = arith.constant 0 : i32
    %dma_start3A_473 = arith.constant 0 : i32
    %dma_start3A_474 = arith.constant 0 : i32
    %dma_start3A_475 = tpu.memref_slice %arg6[%dma_start3A_471, %dma_start3A_473, %dma_start3A_474] : memref<3x2x8192xf32, #tpu.memory_space<vmem>> -> memref<1x2x8192xf32, #tpu.memory_space<vmem>>
    %dma_start3A_476 = tpu.memref_squeeze %dma_start3A_475 : memref<1x2x8192xf32, #tpu.memory_space<vmem>> -> memref<2x8192xf32, #tpu.memory_space<vmem>>
    %dma_start3A_477 = arith.constant 0 : i32
    %dma_start3A_478 = arith.constant 0 : i32
    %dma_start3A_479 = tpu.memref_slice %arg7[%arg1, %dma_start3A_472, %dma_start3A_477, %dma_start3A_478] : memref<16x3x2x8192xf32, #tpu.memory_space<vmem_shared>> -> memref<1x1x2x8192xf32, #tpu.memory_space<vmem_shared>>
    %dma_start3A_480 = tpu.memref_squeeze %dma_start3A_479 : memref<1x1x2x8192xf32, #tpu.memory_space<vmem_shared>> -> memref<2x8192xf32, #tpu.memory_space<vmem_shared>>
    %dma_start3A_481 = arith.constant 0 : i32
    %dma_start3A_482 = arith.constant 0 : i32
    %dma_start3A_483 = tpu.memref_slice %arg7[%arg1, %dma_start3A_472, %dma_start3A_481, %dma_start3A_482] : memref<16x3x2x8192xf32, #tpu.memory_space<vmem_shared>> -> memref<1x1x2x8192xf32, #tpu.memory_space<vmem_shared>>
    %dma_start3A_484 = tpu.memref_squeeze %dma_start3A_483 : memref<1x1x2x8192xf32, #tpu.memory_space<vmem_shared>> -> memref<2x8192xf32, #tpu.memory_space<vmem_shared>>
    %dma_start3A_485 = arith.constant 0 : i32
    %dma_start3A_486 = arith.constant 0 : i32
    %dma_start3A_487 = tpu.memref_slice %arg6[%dma_start3A_471, %dma_start3A_485, %dma_start3A_486] : memref<3x2x8192xf32, #tpu.memory_space<vmem>> -> memref<1x2x8192xf32, #tpu.memory_space<vmem>>
    %dma_start3A_488 = tpu.memref_squeeze %dma_start3A_487 : memref<1x2x8192xf32, #tpu.memory_space<vmem>> -> memref<2x8192xf32, #tpu.memory_space<vmem>>
    tpu.enqueue_dma source(%dma_start3A_488 : memref<2x8192xf32, #tpu.memory_space<vmem>>) target(%dma_start3A_484 : memref<2x8192xf32, #tpu.memory_space<vmem_shared>>) target_semaphore(%arg11 : memref<!tpu.dma_semaphore, #tpu.memory_space<semaphore_mem>>)
    %dma_wait3A_489 = arith.constant 0 : i32
    %dma_wait3A_490 = arith.constant 0 : i32
    %dma_wait3A_491 = arith.constant 0 : i32
    %dma_wait3A_492 = arith.constant 0 : i32
    %dma_wait3A_493 = tpu.memref_slice %arg6[%dma_wait3A_489, %dma_wait3A_491, %dma_wait3A_492] : memref<3x2x8192xf32, #tpu.memory_space<vmem>> -> memref<1x2x8192xf32, #tpu.memory_space<vmem>>
    %dma_wait3A_494 = tpu.memref_squeeze %dma_wait3A_493 : memref<1x2x8192xf32, #tpu.memory_space<vmem>> -> memref<2x8192xf32, #tpu.memory_space<vmem>>
    %dma_wait3A_495 = arith.constant 0 : i32
    %dma_wait3A_496 = arith.constant 0 : i32
    %dma_wait3A_497 = tpu.memref_slice %arg7[%arg1, %dma_wait3A_490, %dma_wait3A_495, %dma_wait3A_496] : memref<16x3x2x8192xf32, #tpu.memory_space<vmem_shared>> -> memref<1x1x2x8192xf32, #tpu.memory_space<vmem_shared>>
    %dma_wait3A_498 = tpu.memref_squeeze %dma_wait3A_497 : memref<1x1x2x8192xf32, #tpu.memory_space<vmem_shared>> -> memref<2x8192xf32, #tpu.memory_space<vmem_shared>>
    %dma_wait3A_499 = arith.constant 0 : i32
    %dma_wait3A_500 = arith.constant 0 : i32
    %dma_wait3A_501 = tpu.memref_slice %arg7[%arg1, %dma_wait3A_490, %dma_wait3A_499, %dma_wait3A_500] : memref<16x3x2x8192xf32, #tpu.memory_space<vmem_shared>> -> memref<1x1x2x8192xf32, #tpu.memory_space<vmem_shared>>
    %dma_wait3A_502 = tpu.memref_squeeze %dma_wait3A_501 : memref<1x1x2x8192xf32, #tpu.memory_space<vmem_shared>> -> memref<2x8192xf32, #tpu.memory_space<vmem_shared>>
    %dma_wait3A_503 = arith.constant 0 : i32
    %dma_wait3A_504 = arith.constant 0 : i32
    %dma_wait3A_505 = tpu.memref_slice %arg6[%dma_wait3A_489, %dma_wait3A_503, %dma_wait3A_504] : memref<3x2x8192xf32, #tpu.memory_space<vmem>> -> memref<1x2x8192xf32, #tpu.memory_space<vmem>>
    %dma_wait3A_506 = tpu.memref_squeeze %dma_wait3A_505 : memref<1x2x8192xf32, #tpu.memory_space<vmem>> -> memref<2x8192xf32, #tpu.memory_space<vmem>>
    tpu.wait_dma2 semaphore(%arg11 : memref<!tpu.dma_semaphore, #tpu.memory_space<semaphore_mem>>) src(%dma_wait3A_506 : memref<2x8192xf32, #tpu.memory_space<vmem>>) dst(%dma_wait3A_502 : memref<2x8192xf32, #tpu.memory_space<vmem_shared>>)
    %add3A_507 = arith.constant 126 : i32
    %add3A_508 = arith.addi %mul3A_2, %add3A_507 : i32
    %dma_start3A_509 = arith.constant 0 : i32
    %dma_start3A_510 = arith.constant 0 : i32
    %dma_start3A_511 = tpu.memref_slice %arg4[%add3A_508, %dma_start3A_510] : memref<4096x8192xf32, #tpu.memory_space<hbm>> -> memref<2x8192xf32, #tpu.memory_space<hbm>>
    %dma_start3A_512 = arith.constant 0 : i32
    %dma_start3A_513 = arith.constant 0 : i32
    %dma_start3A_514 = tpu.memref_slice %arg7[%arg1, %dma_start3A_509, %dma_start3A_512, %dma_start3A_513] : memref<16x3x2x8192xf32, #tpu.memory_space<vmem_shared>> -> memref<1x1x2x8192xf32, #tpu.memory_space<vmem_shared>>
    %dma_start3A_515 = tpu.memref_squeeze %dma_start3A_514 : memref<1x1x2x8192xf32, #tpu.memory_space<vmem_shared>> -> memref<2x8192xf32, #tpu.memory_space<vmem_shared>>
    tpu.enqueue_dma source(%dma_start3A_515 : memref<2x8192xf32, #tpu.memory_space<vmem_shared>>) target(%dma_start3A_511 : memref<2x8192xf32, #tpu.memory_space<hbm>>) target_semaphore(%arg14 : memref<!tpu.dma_semaphore, #tpu.memory_space<semaphore_mem>>)
    %dma_wait3A_516 = arith.constant 1 : i32
    %dma_wait3A_517 = arith.constant 0 : i32
    %dma_wait3A_518 = tpu.memref_slice %arg4[%mul3A_2, %dma_wait3A_517] : memref<4096x8192xf32, #tpu.memory_space<hbm>> -> memref<2x8192xf32, #tpu.memory_space<hbm>>
    %dma_wait3A_519 = arith.constant 0 : i32
    %dma_wait3A_520 = arith.constant 0 : i32
    %dma_wait3A_521 = tpu.memref_slice %arg7[%arg1, %dma_wait3A_516, %dma_wait3A_519, %dma_wait3A_520] : memref<16x3x2x8192xf32, #tpu.memory_space<vmem_shared>> -> memref<1x1x2x8192xf32, #tpu.memory_space<vmem_shared>>
    %dma_wait3A_522 = tpu.memref_squeeze %dma_wait3A_521 : memref<1x1x2x8192xf32, #tpu.memory_space<vmem_shared>> -> memref<2x8192xf32, #tpu.memory_space<vmem_shared>>
    tpu.wait_dma2 semaphore(%arg15 : memref<!tpu.dma_semaphore, #tpu.memory_space<semaphore_mem>>) src(%dma_wait3A_522 : memref<2x8192xf32, #tpu.memory_space<vmem_shared>>) dst(%dma_wait3A_518 : memref<2x8192xf32, #tpu.memory_space<hbm>>)
    %dma_wait3A_523 = arith.constant 2 : i32
    %dma_wait3A_524 = arith.constant 0 : i32
    %dma_wait3A_525 = tpu.memref_slice %arg4[%mul3A_2, %dma_wait3A_524] : memref<4096x8192xf32, #tpu.memory_space<hbm>> -> memref<2x8192xf32, #tpu.memory_space<hbm>>
    %dma_wait3A_526 = arith.constant 0 : i32
    %dma_wait3A_527 = arith.constant 0 : i32
    %dma_wait3A_528 = tpu.memref_slice %arg7[%arg1, %dma_wait3A_523, %dma_wait3A_526, %dma_wait3A_527] : memref<16x3x2x8192xf32, #tpu.memory_space<vmem_shared>> -> memref<1x1x2x8192xf32, #tpu.memory_space<vmem_shared>>
    %dma_wait3A_529 = tpu.memref_squeeze %dma_wait3A_528 : memref<1x1x2x8192xf32, #tpu.memory_space<vmem_shared>> -> memref<2x8192xf32, #tpu.memory_space<vmem_shared>>
    tpu.wait_dma2 semaphore(%arg16 : memref<!tpu.dma_semaphore, #tpu.memory_space<semaphore_mem>>) src(%dma_wait3A_529 : memref<2x8192xf32, #tpu.memory_space<vmem_shared>>) dst(%dma_wait3A_525 : memref<2x8192xf32, #tpu.memory_space<hbm>>)
    %dma_wait3A_530 = arith.constant 0 : i32
    %dma_wait3A_531 = arith.constant 0 : i32
    %dma_wait3A_532 = tpu.memref_slice %arg4[%mul3A_2, %dma_wait3A_531] : memref<4096x8192xf32, #tpu.memory_space<hbm>> -> memref<2x8192xf32, #tpu.memory_space<hbm>>
    %dma_wait3A_533 = arith.constant 0 : i32
    %dma_wait3A_534 = arith.constant 0 : i32
    %dma_wait3A_535 = tpu.memref_slice %arg7[%arg1, %dma_wait3A_530, %dma_wait3A_533, %dma_wait3A_534] : memref<16x3x2x8192xf32, #tpu.memory_space<vmem_shared>> -> memref<1x1x2x8192xf32, #tpu.memory_space<vmem_shared>>
    %dma_wait3A_536 = tpu.memref_squeeze %dma_wait3A_535 : memref<1x1x2x8192xf32, #tpu.memory_space<vmem_shared>> -> memref<2x8192xf32, #tpu.memory_space<vmem_shared>>
    tpu.wait_dma2 semaphore(%arg14 : memref<!tpu.dma_semaphore, #tpu.memory_space<semaphore_mem>>) src(%dma_wait3A_536 : memref<2x8192xf32, #tpu.memory_space<vmem_shared>>) dst(%dma_wait3A_532 : memref<2x8192xf32, #tpu.memory_space<hbm>>)
    return
  }
}

</mosaic_0001>

<sc_bundles>
// kernel: kernel.3.cloned.1.call-start
scs
__scs_entry_jumppad:
0x0: {  	(pc) =	sbr.rel $0x88, $3  }
0x1: {  	(tag) =	ssettag $0x0;
	lr =	simm.s32 $0x1  }
0x2: {  	[smem:$0x3F9F] =	sst lr;
	_ =	strace $0xD0000000  }
0x3: {  	_ = 	snop  }
0x4: {  	_ = 	snop  }
0x5: {  	_ = 	snop  }
0x6: {  	_ = 	snop  }
0x7: {  	_ = 	snop  }
__scs_overlays_trampoline_lowered:
0x8: {  	[smem:$0x3FAE] =	sst s0  }
0x9: {  	[smem:$0x3FAF] =	sst s1  }
0xa: {  	[smem:$0x3FB0] =	sst s2  }
0xb: {  	[smem:$0x3FB1] =	sst s3  }
0xc: {  	[smem:$0x3FB2] =	sst s4  }
0xd: {  	[smem:$0x3FB3] =	sst s5  }
0xe: {  	[smem:$0x3FB4] =	sst s6  }
0xf: {  	[smem:$0x3FB5] =	sst s7  }
0x10: {  	[smem:$0x3FB6] =	sst s8  }
0x11: {  	[smem:$0x3FB7] =	sst s9;
	s0 =	simm.s32 @!p0 $0x0  }
0x12: {  	s1 =	sld [smem:$0x3F9D];
	s0 =	simm.s32 @p0 $0x1  }
0x13: {  	[smem:$0x3FB8] =	sst s0;
	s0 =	simm.s32 @!p1 $0x0  }
0x14: {  	s2 =	sld [smem:$0x3F9C];
	s0 =	simm.s32 @p1 $0x1  }
0x15: {  	[smem:$0x3FB9] =	sst s0;
	s0 =	simm.s32 @!p2 $0x0  }
0x16: {  	s3 =	sld [smem:$0x3FDB];
	s0 =	simm.s32 @p2 $0x1  }
0x17: {  	s4 =	simm.s32 $0x1BF5;
	[smem:$0x3FBB] =	sst s0  }
0x18: {  	s0 =	sld [smem:$0x3F9E];
	_ =	swait.ge [sflag:s4], $0x0  }
0x19: {  	s7 =	sld [smem:$0x3F9F]  }
0x1a: {  	s8 =	sadd.s32 $0xFFFFE003, lr  }
0x1b: {  	s9 =	sadd.s32 $0xFFFFFEF7, lr;
	s5 =	simm.s32 $0xFFFFFFFF;
	p2 =	slt.u32 s8, $0xFFFFF086  }
0x1c: {  	p1 =	slt.u32 s9, $0xF7A;
	s5 =	simm.s32 @!p2 $0x0  }
0x1d: {  	s5 =	simm.s32 @p1 $0x1;
	p0 =	seq.s32 s7, s2  }
0x1e: {  	s7 =	smul.u32 @!p0 $0xF7A, s2;
	p2 =	seq.s32 @!p0 s5, $0x0  }
0x1f: {  	s9 =	smul.u32 $0xF7A, s1;
	s8 =	simm.s32 @!p0 $0x1BF5;
	p2 =	por !p2, p0  }
0x20: {  	[sflag:s8] =	ssyncset.s32 @!p0 $0xFFFFF086;
	s6 =	sadd.s32 @!p0 s3, s7;
	s7 =	simm.s32 @!p0 $0x108  }
0x21: {  	s3 =	sadd.s32 s3, s9;
	s6 =	sadd.s32 @!p0 $0x88, s6;
	s7 =	simm.s32 @p2 $0x1082  }
0x22: {  	[simem:s7], [sflag:s8] =	dma.local @!p0 [hbm:s6], $0xF7A  }
0x23: {  	s9 =	sor.u32 $0xD0000000, s2;
	s6 =	simm.s32 $0x108;
	_ =	swait.ge @!p0 [sflag:s8], $0x0  }
0x24: {  	s3 =	sadd.s32 $0x88, s3;
	s6 =	simm.s32 @!p1 $0x1082;
	[sflag:s4] =	ssyncset.s32 $0xFFFFF086  }
0x25: {  	[simem:s6], [sflag:s4] =	dma.local [hbm:s3], $0xF7A  }
0x26: {  	[smem:$0x3F9F] =	sst s1;
	(tag) =	ssettag s2;
	_ =	strace s9  }
0x27: {  	s1 =	sld [smem:$0x3FAF]  }
0x28: {  	s2 =	sld [smem:$0x3FB0]  }
0x29: {  	s4 =	sld [smem:$0x3FB2]  }
0x2a: {  	p0 =	seq.s32 s5, $0x0;
	s5 =	sld [smem:$0x3FB3]  }
0x2b: {  	s6 =	sld [smem:$0x3FB4]  }
0x2c: {  	s7 =	sld [smem:$0x3FB5]  }
0x2d: {  	s3 =	simm.s32 $0x108;
	s8 =	sld [smem:$0x3FB6]  }
0x2e: {  	s3 =	simm.s32 @!p0 $0x1082;
	s9 =	sld [smem:$0x3FB7]  }
0x2f: {  	lr =	sadd.s32 s0, s3;
	s0 =	sld [smem:$0x3FAE]  }
0x30: {  	s3 =	sld [smem:$0x3FB1]  }
0x31: {  	[smem:$0x3FBA] =	sst s10  }
0x32: {  	s10 =	sld [smem:$0x3FB8];
	_ =	sdelay $0x3  }
0x33: {  	p0 =	seq.s32 s10, $0x1;
	s10 =	sld [smem:$0x3FBA];
	_ =	sdelay $0x3  }
0x34: {  	[smem:$0x3FBA] =	sst s10  }
0x35: {  	s10 =	sld [smem:$0x3FB9];
	_ =	sdelay $0x3  }
0x36: {  	p1 =	seq.s32 s10, $0x1;
	s10 =	sld [smem:$0x3FBA];
	_ =	sdelay $0x3  }
0x37: {  	[smem:$0x3FBA] =	sst s10  }
0x38: {  	s10 =	sld [smem:$0x3FBB]  }
0x39: {  	_ = 	snop;
	(pc) =	sbr.ind lr, $3  }
0x3a: {  	_ = 	snop  }
0x3b: {  	_ = 	snop  }
0x3c: {  	p2 =	seq.s32 s10, $0x1;
	s10 =	sld [smem:$0x3FBA]  }
0x3d: {  	_ =	shalt  }
0x3e: {  	_ =	shalt  }
0x3f: {  	_ =	shalt  }
0x40: {  	_ =	shalt  }
0x41: {  	_ =	shalt  }
0x42: {  	_ =	shalt  }
0x43: {  	_ =	shalt  }
0x44: {  	_ =	shalt  }
0x45: {  	_ =	shalt  }
0x46: {  	_ =	shalt  }
0x47: {  	_ =	shalt  }
0x48: {  	_ =	shalt  }
0x49: {  	_ =	shalt  }
0x4a: {  	_ =	shalt  }
0x4b: {  	_ =	shalt  }
0x4c: {  	_ =	shalt  }
0x4d: {  	_ =	shalt  }
0x4e: {  	_ =	shalt  }
0x4f: {  	_ =	shalt  }
0x50: {  	_ =	shalt  }
0x51: {  	_ =	shalt  }
0x52: {  	_ =	shalt  }
0x53: {  	_ =	shalt  }
0x54: {  	_ =	shalt  }
0x55: {  	_ =	shalt  }
0x56: {  	_ =	shalt  }
0x57: {  	_ =	shalt  }
0x58: {  	_ =	shalt  }
0x59: {  	_ =	shalt  }
0x5a: {  	_ =	shalt  }
0x5b: {  	_ =	shalt  }
0x5c: {  	_ =	shalt  }
0x5d: {  	_ =	shalt  }
0x5e: {  	_ =	shalt  }
0x5f: {  	_ =	shalt  }
0x60: {  	_ =	shalt  }
0x61: {  	_ =	shalt  }
0x62: {  	_ =	shalt  }
0x63: {  	_ =	shalt  }
0x64: {  	_ =	shalt  }
0x65: {  	_ =	shalt  }
0x66: {  	_ =	shalt  }
0x67: {  	_ =	shalt  }
0x68: {  	_ =	shalt  }
0x69: {  	_ =	shalt  }
0x6a: {  	_ =	shalt  }
0x6b: {  	_ =	shalt  }
0x6c: {  	_ =	shalt  }
0x6d: {  	_ =	shalt  }
0x6e: {  	_ =	shalt  }
0x6f: {  	_ =	shalt  }
0x70: {  	_ =	shalt  }
0x71: {  	_ =	shalt  }
0x72: {  	_ =	shalt  }
0x73: {  	_ =	shalt  }
0x74: {  	_ =	shalt  }
0x75: {  	_ =	shalt  }
0x76: {  	_ =	shalt  }
0x77: {  	_ =	shalt  }
0x78: {  	_ =	shalt  }
0x79: {  	_ =	shalt  }
0x7a: {  	_ =	shalt  }
0x7b: {  	_ =	shalt  }
0x7c: {  	_ =	shalt  }
0x7d: {  	_ =	shalt  }
0x7e: {  	_ =	shalt  }
0x7f: {  	_ =	shalt  }
0x80: {  	_ =	shalt  }
0x81: {  	_ =	shalt  }
0x82: {  	_ =	shalt  }
0x83: {  	_ =	shalt  }
0x84: {  	_ =	shalt  }
0x85: {  	_ =	shalt  }
0x86: {  	_ =	shalt  }
0x87: {  	_ =	shalt  }
.Lfunc_end0:
.L_simem_size_0:
called_computation_lowered:
.L_overlay_start_0:
0x88: {  	s2 =	sld [smem:$0x3FD9]  }
0x89: {  	s3 =	sld [smem:$0x3FFE];
	_ =	sdelay $0x1  }
0x8a: {  	s1 =	srdreg.scid  }
0x8b: {  	s0 =	sand.u32 $0x1, s1  }
0x8c: {  	s17 =	sshll.u32 s0, $0xA;
	s2 =	sadd.s32 s3, s2  }
0x8d: {  	s2 =	sadd.s32 s2, s17  }
0x8e: {  	[smem:$0x3FC6] =	sst s2  }
0x8f: {  	_ = 	snop  }
0x90: {  	s2 =	sld [smem:$0x3FC8]  }
0x91: {  	s18 =	sld [smem:$0x3FD0];
	(tm) =	ssettm $0x1  }
0x92: {  	s4 =	sld [smem:$0x3FFB];
	_ =	sdelay $0x3  }
0x93: {  	_ =	strace s4  }
0x94: {  	s4 =	sld [smem:$0x3FFC];
	_ =	sdelay $0x3  }
0x95: {  	_ =	strace s4  }
0x96: {  	s4 =	sld [smem:$0x3FFD];
	_ =	sdelay $0x3  }
0x97: {  	_ =	strace s4  }
0x98: {  	_ =	strace $0x8FFFFFFF  }
0x99: {  	s19 =	sld [smem:$0x3FDB];
	_ =	sdelay $0x1  }
0x9a: {  	s5 =	simm.s32 $_scs_section_size  }
0x9b: {  	s6 =	simm.s32 $_size__tile_overlayer_lowered;
	s7 =	simm.s32 $_tile_overlayer_lowered  }
0x9c: {  	s22 =	simm.s32 $0x1BFF;
	s21 =	sshll.u32 s7, $0x1;
	s4 =	sadd.s32 s5, s19  }
0x9d: {  	s8 =	simm.s32 $0x0;
	s20 =	sshll.u32 s6, $0x1;
	s6 =	sadd.s32 s21, s4  }
0x9e: {  	[timem:s8], [sflag:s22] =	dma.local [hbm:s6], s20  }
0x9f: {  	_ =	swait.ge [sflag:s22], s20  }
0xa0: {  	s5 =	ssub.s32 $0x0, s20;
	[sflag:s22] =	ssyncset.done $0x0  }
0xa1: {  	[sflag:s22] =	ssyncadd.s32 s5;
	_ =	sdelay $0x1  }
0xa2: {  	s23 =	simm.s32 $0x1B8B  }
0xa3: {  	_ =	swait.ge [sflag:s23], $0x1  }
0xa4: {  	[sflag:s23] =	ssyncset.done $0x0  }
0xa5: {  	s25 =	simm.s32 $0x1B8E;
	s24 =	sld [smem:$0x3FFE];
	[sflag:s23] =	ssyncadd.s32 $0xFFFFFFFF  }
0xa6: {  	s26 =	simm.s32 $execute0_lowered;
	[smem:$0x3FD2] =	sst s25  }
0xa7: {  	s6 =	sshll.u32 s26, $0x1;
	_ =	strace $0x80000046;
	[dreg:$0x1] =	wrdreg $0xFFFFFFFF  }
0xa8: {  	s28 =	simm.s32 $_size_execute0_lowered;
	s4 =	sadd.s32 s4, s6;
	[dreg:$0x0] =	wrdreg $0x0  }
0xa9: {  	s6 =	sshll.u32 s28, $0x1;
	[dreg:$0x2] =	wrdreg s4  }
0xaa: {  	[dreg:$0x3] =	wrdreg s6  }
0xab: {  	[dreg:$0x4] =	wrdreg $0xC0  }
0xac: {  	_ =	task [dreg:s8], $0x5FFFF  }
0xad: {  	[dreg:$0x1] =	wrdreg $0xFFFFFFFF  }
0xae: {  	[dreg:$0x0] =	wrdreg $0x60  }
0xaf: {  	[dreg:$0x2] =	wrdreg s24  }
0xb0: {  	[dreg:$0x3] =	wrdreg s2  }
0xb1: {  	[dreg:$0x4] =	wrdreg s18  }
0xb2: {  	[dreg:$0x5] =	wrdreg $0xE0000  }
0xb3: {  	[dreg:$0x6] =	wrdreg $0x9  }
0xb4: {  	_ =	task.clear_ibuf [dreg:s8], $0x7FFFF;
	_ =	strace $0x90000046  }
0xb5: {  	s29 =	simm.s32 $0x9;
	_ =	strace $0x80000048  }
0xb6: {  	_ =	swait.ge [sflag:s29], $0x1  }
0xb7: {  	[sflag:s29] =	ssyncadd.s32 $0xFFFFFFFF  }
0xb8: {  	_ =	strace $0x90000048  }
0xb9: {  	_ =	sfence  }
0xba: {  	s30 =	sld [smem:$0x0];
	_ =	sdelay $0x2  }
0xbb: {  	s31 =	sshll.u32 s1, $0xD;
	s1 =	sshrl.u32 s1, $0x2  }
0xbc: {  	s3 =	sand.u32 $0x4000, s31;
	s1 =	sadd.s32 s1, s30  }
0xbd: {  	s0 =	sor.u32 s3, s0;
	s1 =	sshll.u32 s1, $0x11  }
0xbe: {  	s0 =	sor.u32 s1, s0  }
0xbf: {  	s0 =	sadd.s32 $0x8F2B, s0  }
0xc0: {  	[sflag:s0] =	ssyncadd.remote.s32 $0x1  }
0xc1: {  	_ =	sfence.sel $0xFFFF  }
0xc2: {  	[dreg:$0x0] =	wrdreg $0xFFFFFFFF;
	(pc) =	sbr.abs _section_cstart, $3  }
0xc3: {  	[dreg:$0x1] =	wrdreg $0xFFFFFFFF  }
0xc4: {  	_ =	task.clear_ibuf [dreg:s8], $0x2FFFF;
	_ =	strace $0x9FFFFFFF  }
0xc5: {  	(tm) =	ssettm $0x7FFFFFFF  }
tec
execute0_lowered:
.L_overlay_start_1:
0x0: {  	(tag) =	ssettag $0x1  }
0x1: {  	s0 =	rddreg [dreg:$0x0]  }
0x2: {  	s12 =	rddreg [dreg:$0x1]  }
0x3: {  	s29 =	rddreg [dreg:$0x2];
	s2 =	srdreg.scid  }
0x4: {  	s1 =	stileid.u32;
	s3 =	rddreg [dreg:$0x3]  }
0x5: {  	s16 =	simm.s32 $0x9;
	s2 =	sand.u32 $0x1, s2;
	s4 =	sshll.u32 s1, $0x1  }
0x6: {  	s18 =	smul.u32 $0x30000, s1;
	s8 =	sadd.s32 $0xC00, s12;
	s9 =	sadd.s32 $0x1000, s12  }
0x7: {  	s10 =	sadd.s32 $0x1400, s12;
	s11 =	sadd.s32 $0x1800, s12;
	s24 =	sshll.u32 s1, $0x15  }
0x8: {  	s26 =	sshll.u32 s1, $0x12;
	s5 =	sor.u32 s2, s4;
	s4 =	simm.s32 $0x0  }
0x9: {  	s7 =	ssub.s32 $0x2, s2;
	s25 =	sshll.u32 s2, $0x14;
	s2 =	sshll.u32 s2, $0x11  }
0xa: {  	s6 =	sshll.u32 s5, $0xA;
	[smem:$0x7FF] =	sst s4;
	s5 =	sshll.u32 s5, $0x11  }
0xb: {  	s2 =	sor.u32 s2, s26;
	s0 =	sadd.s32 s6, s0;
	s5 =	sadd.s32 s29, s5  }
0xc: {  	_ =	strace $0x80000047;
	s31 =	sor.u32 $0x2800, s2;
	[dreg:$0x7] =	wrdreg s5  }
0xd: {  	s1 =	simm.s32 $0x7000;
	s0 =	sadd.s32 $0x400, s0;
	[dreg:$0x12] =	wrdreg s31  }
0xe: {  	s17 =	sshrl.u32 s7, $0x1;
	s19 =	sadd.s32 $0x20, s5;
	[dreg:$0x5] =	wrdreg s0  }
0xf: {  	s13 =	ssub.s32 s7, s17;
	s20 =	sadd.s32 $0x40, s5;
	[dreg:$0x9] =	wrdreg s19  }
0x10: {  	s6 =	sadd.s32 $0x400, s12;
	s21 =	sadd.s32 $0x1E000, s5;
	[dreg:$0xb] =	wrdreg s20  }
0x11: {  	s7 =	sadd.s32 $0x800, s12;
	s22 =	sadd.s32 $0x1E020, s5;
	[dreg:$0xc] =	wrdreg s21  }
0x12: {  	s12 =	sadd.s32 $0x1C00, s12;
	s23 =	sadd.s32 $0x1E040, s5;
	[dreg:$0xd] =	wrdreg s22  }
0x13: {  	s2 =	simm.s32 $0x0;
	s28 =	sadd.s32 $0x1E060, s5;
	[dreg:$0xe] =	wrdreg s23  }
0x14: {  	s30 =	smax.u32 s13, $0x1;
	s0 =	sshrl.u32 s18, $0x2;
	[dreg:$0xf] =	wrdreg s28  }
0x15: {  	s5 =	simm.s32 $0x6800;
	[dreg:$0x10] =	wrdreg s30;
	s0 =	sadd.s32 s0, s3  }
0x16: {  	s3 =	sadd.s32 $0x4000, s0;
	[dreg:$0x6] =	wrdreg s0;
	s0 =	sadd.s32 $0x8000, s0  }
0x17: {  	v0 =	vlaneseq.u32;
	s20 =	simm.s32 $0x8;
	[dreg:$0xa] =	wrdreg s0;
	s0 =	sor.u32 s25, s24  }
0x18: {  	v1 =	vshrl.u32 v0, $0x1;
	s22 =	simm.s32 $0x7;
	[dreg:$0x8] =	wrdreg s3;
	s0 =	sor.u32 $0x10000, s0  }
0x19: {  	vm0 =	vmmov $0xffff;
	v0 =	vand.u32 $0x1, v0;
	v1 =	vmul.u32 $0x8, v1;
	s3 =	simm.s32 $0x7800;
	s24 =	simm.s32 $0x2;
	[dreg:$0x11] =	wrdreg s0  }
.LBB2_1:
0x1a: {  	[dreg:$0x13] =	wrdreg s2  }
0x1b: {  	s0 =	rddreg [dreg:$0x5];
	s2 =	simm.s32 $0xA  }
0x1c: {  	[tilespmem:s4], [sflag:$0xA] =	stream.linear.gather [hbm4b:s0+s4], $0x2000, $0x38;
	[tilespmem:$0x1A000] =	vst v63  }
0x1d: {  	_ =	swait.ge [sflag:s2], $0x2000  }
0x1e: {  	[sflag:s2] =	ssyncset.done $0x0  }
0x1f: {  	[sflag:s2] =	ssyncadd.s32 $0xFFFFE000  }
0x20: {  	v2 =	vld.msk [tilespmem:$0x0], $0x3;
	_ =	sdelay $0x4  }
0x21: {  	v3 =	vshll.u32 v2, $0x6  }
0x22: {  	v2 =	vand.u32 $0x7, v2;
	v3 =	vand.u32 $0xFFFFFE00, v3  }
0x23: {  	v2 =	vor.u32 v2, v3  }
0x24: {  	v2 =	vperm.xlane v2, v0;
	_ =	sdelay $0x1  }
0x25: {  	v2 =	vadd.s32 v1, v2;
	_ =	sdelay $0x3  }
0x26: {  	s14 =	simm.s32 $0x2000;
	s13 =	rddreg [dreg:$0x1]  }
0x27: {  	[tilespmem:s14], [sflag:$0x1] =	stream.indirect_vreg.gather [hbm4b:s13+s4], $0x80, v2, vm0, $0xb8;
	[tilespmem:$0x1A000] =	vst v63  }
0x28: {  	s30 =	simm.s32 $0x2800  }
0x29: {  	[tilespmem:s30], [sflag:$0x1] =	stream.indirect_vreg.gather [hbm4b:s6+s4], $0x80, v2, vm0, $0xb8;
	[tilespmem:$0x1A000] =	vst v63  }
0x2a: {  	s15 =	simm.s32 $0x3000  }
0x2b: {  	[tilespmem:s15], [sflag:$0x1] =	stream.indirect_vreg.gather [hbm4b:s7+s4], $0x80, v2, vm0, $0xb8;
	[tilespmem:$0x1A000] =	vst v63  }
0x2c: {  	s17 =	simm.s32 $0x3800  }
0x2d: {  	[tilespmem:s17], [sflag:$0x1] =	stream.indirect_vreg.gather [hbm4b:s8+s4], $0x80, v2, vm0, $0xb8;
	[tilespmem:$0x1A000] =	vst v63  }
0x2e: {  	s25 =	simm.s32 $0x4000  }
0x2f: {  	[tilespmem:s25], [sflag:$0x1] =	stream.indirect_vreg.gather [hbm4b:s9+s4], $0x80, v2, vm0, $0xb8;
	[tilespmem:$0x1A000] =	vst v63  }
0x30: {  	s21 =	simm.s32 $0x4800  }
0x31: {  	[tilespmem:s21], [sflag:$0x1] =	stream.indirect_vreg.gather [hbm4b:s10+s4], $0x80, v2, vm0, $0xb8;
	[tilespmem:$0x1A000] =	vst v63  }
0x32: {  	s19 =	simm.s32 $0x5000  }
0x33: {  	[tilespmem:s19], [sflag:$0x1] =	stream.indirect_vreg.gather [hbm4b:s11+s4], $0x80, v2, vm0, $0xb8;
	[tilespmem:$0x1A000] =	vst v63  }
0x34: {  	s28 =	simm.s32 $0x5800  }
0x35: {  	[tilespmem:s28], [sflag:$0x1] =	stream.indirect_vreg.gather [hbm4b:s12+s4], $0x80, v2, vm0, $0xb8;
	[tilespmem:$0x1A000] =	vst v63  }
0x36: {  	v2 =	vld.msk [tilespmem:$0x80], $0x3;
	_ =	sdelay $0x4  }
0x37: {  	v3 =	vshll.u32 v2, $0x6  }
0x38: {  	v2 =	vand.u32 $0x7, v2;
	v3 =	vand.u32 $0xFFFFFE00, v3  }
0x39: {  	v2 =	vor.u32 v2, v3  }
0x3a: {  	v2 =	vperm.xlane v2, v0;
	_ =	sdelay $0x1  }
0x3b: {  	v2 =	vadd.s32 v1, v2;
	_ =	sdelay $0x3  }
0x3c: {  	s2 =	simm.s32 $0x6000  }
0x3d: {  	[tilespmem:s2], [sflag:$0x2] =	stream.indirect_vreg.gather [hbm4b:s13+s4], $0x80, v2, vm0, $0xb8;
	[tilespmem:$0x1A000] =	vst v63  }
0x3e: {  	_ = 	snop  }
0x3f: {  	[tilespmem:s5], [sflag:$0x2] =	stream.indirect_vreg.gather [hbm4b:s6+s4], $0x80, v2, vm0, $0xb8;
	[tilespmem:$0x1A000] =	vst v63  }
0x40: {  	_ = 	snop  }
0x41: {  	[tilespmem:s1], [sflag:$0x2] =	stream.indirect_vreg.gather [hbm4b:s7+s4], $0x80, v2, vm0, $0xb8;
	[tilespmem:$0x1A000] =	vst v63  }
0x42: {  	_ = 	snop  }
0x43: {  	[tilespmem:s3], [sflag:$0x2] =	stream.indirect_vreg.gather [hbm4b:s8+s4], $0x80, v2, vm0, $0xb8;
	[tilespmem:$0x1A000] =	vst v63  }
0x44: {  	s3 =	simm.s32 $0x8000  }
0x45: {  	[tilespmem:s3], [sflag:$0x2] =	stream.indirect_vreg.gather [hbm4b:s9+s4], $0x80, v2, vm0, $0xb8;
	[tilespmem:$0x1A000] =	vst v63  }
0x46: {  	s18 =	simm.s32 $0x8800  }
0x47: {  	[tilespmem:s18], [sflag:$0x2] =	stream.indirect_vreg.gather [hbm4b:s10+s4], $0x80, v2, vm0, $0xb8;
	[tilespmem:$0x1A000] =	vst v63  }
0x48: {  	s23 =	simm.s32 $0x9000  }
0x49: {  	[tilespmem:s23], [sflag:$0x2] =	stream.indirect_vreg.gather [hbm4b:s11+s4], $0x80, v2, vm0, $0xb8;
	[tilespmem:$0x1A000] =	vst v63  }
0x4a: {  	s26 =	simm.s32 $0x9800  }
0x4b: {  	[tilespmem:s26], [sflag:$0x2] =	stream.indirect_vreg.gather [hbm4b:s12+s4], $0x80, v2, vm0, $0xb8;
	[tilespmem:$0x1A000] =	vst v63  }
0x4c: {  	v2 =	vld.msk [tilespmem:$0x100], $0x3;
	_ =	sdelay $0x4  }
0x4d: {  	v3 =	vshll.u32 v2, $0x6  }
0x4e: {  	v2 =	vand.u32 $0x7, v2;
	v3 =	vand.u32 $0xFFFFFE00, v3  }
0x4f: {  	v2 =	vor.u32 v2, v3  }
0x50: {  	v2 =	vperm.xlane v2, v0;
	_ =	sdelay $0x1  }
0x51: {  	v2 =	vadd.s32 v1, v2;
	_ =	sdelay $0x3  }
0x52: {  	s1 =	simm.s32 $0xA000  }
0x53: {  	[tilespmem:s1], [sflag:$0x3] =	stream.indirect_vreg.gather [hbm4b:s13+s4], $0x80, v2, vm0, $0xb8;
	[tilespmem:$0x1A000] =	vst v63  }
0x54: {  	s3 =	simm.s32 $0xA800  }
0x55: {  	[tilespmem:s3], [sflag:$0x3] =	stream.indirect_vreg.gather [hbm4b:s6+s4], $0x80, v2, vm0, $0xb8;
	[tilespmem:$0x1A000] =	vst v63  }
0x56: {  	s18 =	simm.s32 $0xB000  }
0x57: {  	[tilespmem:s18], [sflag:$0x3] =	stream.indirect_vreg.gather [hbm4b:s7+s4], $0x80, v2, vm0, $0xb8;
	[tilespmem:$0x1A000] =	vst v63  }
0x58: {  	s23 =	simm.s32 $0xB800  }
0x59: {  	[tilespmem:s23], [sflag:$0x3] =	stream.indirect_vreg.gather [hbm4b:s8+s4], $0x80, v2, vm0, $0xb8;
	[tilespmem:$0x1A000] =	vst v63  }
0x5a: {  	s26 =	simm.s32 $0xC000  }
0x5b: {  	[tilespmem:s26], [sflag:$0x3] =	stream.indirect_vreg.gather [hbm4b:s9+s4], $0x80, v2, vm0, $0xb8;
	[tilespmem:$0x1A000] =	vst v63  }
0x5c: {  	s1 =	simm.s32 $0xC800  }
0x5d: {  	[tilespmem:s1], [sflag:$0x3] =	stream.indirect_vreg.gather [hbm4b:s10+s4], $0x80, v2, vm0, $0xb8;
	[tilespmem:$0x1A000] =	vst v63  }
0x5e: {  	s3 =	simm.s32 $0xD000  }
0x5f: {  	[tilespmem:s3], [sflag:$0x3] =	stream.indirect_vreg.gather [hbm4b:s11+s4], $0x80, v2, vm0, $0xb8;
	[tilespmem:$0x1A000] =	vst v63  }
0x60: {  	s18 =	simm.s32 $0xD800;
	s23 =	simm.s32 $0x1  }
0x61: {  	[tilespmem:s18], [sflag:$0x3] =	stream.indirect_vreg.gather [hbm4b:s12+s4], $0x80, v2, vm0, $0xb8;
	[tilespmem:$0x1A000] =	vst v63  }
0x62: {  	s3 =	stileid.u32;
	_ =	swait.ge [sflag:s23], $0x4000  }
0x63: {  	s3 =	sshll.u32 s3, $0x6;
	[sflag:s23] =	ssyncset.done $0x0  }
0x64: {  	s26 =	rddreg [dreg:$0x6];
	[sflag:s23] =	ssyncadd.s32 $0xFFFFC000;
	s23 =	simm.s32 $0x4  }
0x65: {  	[spmem:s26] =	stream.linear.scatter [tilespmem:s14], [sflag:$0x4], $0x4000, $0x38;
	[tilespmem:$0x1A000] =	vst v63  }
0x66: {  	s18 =	simm.s32 $0x80;
	s1 =	sshrl.u32 s26, $0x3;
	_ =	swait.ge [sflag:s23], $0x4000  }
0x67: {  	s26 =	simm.s32 $0x20;
	[dreg:$0x14] =	wrdreg s1;
	[sflag:s23] =	ssyncset.done $0x0  }
0x68: {  	s0 =	rddreg [dreg:$0x7];
	[sflag:s23] =	ssyncadd.s32 $0xFFFFC000;
	s23 =	sor.u32 $0x1C07, s3  }
0x69: {  	[hbm:s0@s18], [sflag:s23] =	dma.strided [spmem:s1@s26], $0x800, s24, $0x10   }
0x6a: {  	v2 =	vld.msk [tilespmem:$0x180], $0x3;
	_ =	sdelay $0x4  }
0x6b: {  	v3 =	vshll.u32 v2, $0x6  }
0x6c: {  	v2 =	vand.u32 $0x7, v2;
	v3 =	vand.u32 $0xFFFFFE00, v3  }
0x6d: {  	v2 =	vor.u32 v2, v3  }
0x6e: {  	v2 =	vperm.xlane v2, v0;
	_ =	sdelay $0x1  }
0x6f: {  	v2 =	vadd.s32 v1, v2;
	_ =	sdelay $0x4  }
0x70: {  	[tilespmem:s14], [sflag:$0x1] =	stream.indirect_vreg.gather [hbm4b:s13+s4], $0x80, v2, vm0, $0xb8;
	[tilespmem:$0x1A000] =	vst v63  }
0x71: {  	_ = 	snop  }
0x72: {  	[tilespmem:s30], [sflag:$0x1] =	stream.indirect_vreg.gather [hbm4b:s6+s4], $0x80, v2, vm0, $0xb8;
	[tilespmem:$0x1A000] =	vst v63  }
0x73: {  	_ = 	snop  }
0x74: {  	[tilespmem:s15], [sflag:$0x1] =	stream.indirect_vreg.gather [hbm4b:s7+s4], $0x80, v2, vm0, $0xb8;
	[tilespmem:$0x1A000] =	vst v63  }
0x75: {  	_ = 	snop  }
0x76: {  	[tilespmem:s17], [sflag:$0x1] =	stream.indirect_vreg.gather [hbm4b:s8+s4], $0x80, v2, vm0, $0xb8;
	[tilespmem:$0x1A000] =	vst v63  }
0x77: {  	_ = 	snop  }
0x78: {  	[tilespmem:s25], [sflag:$0x1] =	stream.indirect_vreg.gather [hbm4b:s9+s4], $0x80, v2, vm0, $0xb8;
	[tilespmem:$0x1A000] =	vst v63  }
0x79: {  	_ = 	snop  }
0x7a: {  	[tilespmem:s21], [sflag:$0x1] =	stream.indirect_vreg.gather [hbm4b:s10+s4], $0x80, v2, vm0, $0xb8;
	[tilespmem:$0x1A000] =	vst v63  }
0x7b: {  	_ = 	snop  }
0x7c: {  	[tilespmem:s19], [sflag:$0x1] =	stream.indirect_vreg.gather [hbm4b:s11+s4], $0x80, v2, vm0, $0xb8;
	[tilespmem:$0x1A000] =	vst v63  }
0x7d: {  	_ = 	snop  }
0x7e: {  	[tilespmem:s28], [sflag:$0x1] =	stream.indirect_vreg.gather [hbm4b:s12+s4], $0x80, v2, vm0, $0xb8;
	[tilespmem:$0x1A000] =	vst v63  }
0x7f: {  	_ =	swait.ge [sflag:s24], $0x4000  }
0x80: {  	[sflag:s24] =	ssyncset.done $0x0  }
0x81: {  	s21 =	simm.s32 $0x5;
	s17 =	rddreg [dreg:$0x8];
	[sflag:s24] =	ssyncadd.s32 $0xFFFFC000  }
0x82: {  	[spmem:s17] =	stream.linear.scatter [tilespmem:s2], [sflag:$0x5], $0x4000, $0x38;
	[tilespmem:$0x1A000] =	vst v63  }
0x83: {  	_ =	swait.ge [sflag:s21], $0x4000  }
0x84: {  	s31 =	smov.u32 s23;
	s19 =	sor.u32 $0x1C08, s3;
	[sflag:s21] =	ssyncset.done $0x0  }
0x85: {  	s30 =	sshrl.u32 s17, $0x3;
	s23 =	rddreg [dreg:$0x9];
	[sflag:s21] =	ssyncadd.s32 $0xFFFFC000  }
0x86: {  	[hbm:s23@s18], [sflag:s19] =	dma.strided [spmem:s30@s26], $0x800, s24, $0x10   }
0x87: {  	v2 =	vld.msk [tilespmem:$0x200], $0x3;
	_ =	sdelay $0x4  }
0x88: {  	v3 =	vshll.u32 v2, $0x6  }
0x89: {  	v2 =	vand.u32 $0x7, v2;
	v3 =	vand.u32 $0xFFFFFE00, v3  }
0x8a: {  	v2 =	vor.u32 v2, v3  }
0x8b: {  	v2 =	vperm.xlane v2, v0;
	_ =	sdelay $0x1  }
0x8c: {  	v2 =	vadd.s32 v1, v2;
	_ =	sdelay $0x4  }
0x8d: {  	[tilespmem:s2], [sflag:$0x2] =	stream.indirect_vreg.gather [hbm4b:s13+s4], $0x80, v2, vm0, $0xb8;
	[tilespmem:$0x1A000] =	vst v63  }
0x8e: {  	_ = 	snop  }
0x8f: {  	[tilespmem:s5], [sflag:$0x2] =	stream.indirect_vreg.gather [hbm4b:s6+s4], $0x80, v2, vm0, $0xb8;
	[tilespmem:$0x1A000] =	vst v63  }
0x90: {  	s25 =	simm.s32 $0x7000  }
0x91: {  	[tilespmem:s25], [sflag:$0x2] =	stream.indirect_vreg.gather [hbm4b:s7+s4], $0x80, v2, vm0, $0xb8;
	[tilespmem:$0x1A000] =	vst v63  }
0x92: {  	s1 =	simm.s32 $0x7800  }
0x93: {  	[tilespmem:s1], [sflag:$0x2] =	stream.indirect_vreg.gather [hbm4b:s8+s4], $0x80, v2, vm0, $0xb8;
	[tilespmem:$0x1A000] =	vst v63  }
0x94: {  	s2 =	simm.s32 $0x8000  }
0x95: {  	[tilespmem:s2], [sflag:$0x2] =	stream.indirect_vreg.gather [hbm4b:s9+s4], $0x80, v2, vm0, $0xb8;
	[tilespmem:$0x1A000] =	vst v63  }
0x96: {  	s5 =	simm.s32 $0x8800  }
0x97: {  	[tilespmem:s5], [sflag:$0x2] =	stream.indirect_vreg.gather [hbm4b:s10+s4], $0x80, v2, vm0, $0xb8;
	[tilespmem:$0x1A000] =	vst v63  }
0x98: {  	s13 =	simm.s32 $0x9000  }
0x99: {  	[tilespmem:s13], [sflag:$0x2] =	stream.indirect_vreg.gather [hbm4b:s11+s4], $0x80, v2, vm0, $0xb8;
	[tilespmem:$0x1A000] =	vst v63  }
0x9a: {  	s14 =	simm.s32 $0x9800;
	s15 =	simm.s32 $0x3  }
0x9b: {  	[tilespmem:s14], [sflag:$0x2] =	stream.indirect_vreg.gather [hbm4b:s12+s4], $0x80, v2, vm0, $0xb8;
	[tilespmem:$0x1A000] =	vst v63  }
0x9c: {  	_ =	swait.ge [sflag:s15], $0x4000  }
0x9d: {  	s21 =	simm.s32 $0xA000;
	[sflag:s15] =	ssyncset.done $0x0  }
0x9e: {  	s23 =	simm.s32 $0x6;
	s17 =	rddreg [dreg:$0xa];
	[sflag:s15] =	ssyncadd.s32 $0xFFFFC000  }
0x9f: {  	[spmem:s17] =	stream.linear.scatter [tilespmem:s21], [sflag:$0x6], $0x4000, $0x38;
	[tilespmem:$0x1A000] =	vst v63  }
0xa0: {  	_ =	swait.ge [sflag:s23], $0x4000  }
0xa1: {  	s15 =	sor.u32 $0x1C09, s3;
	[sflag:s23] =	ssyncset.done $0x0  }
0xa2: {  	s17 =	sshrl.u32 s17, $0x3;
	s25 =	rddreg [dreg:$0xb];
	[sflag:s23] =	ssyncadd.s32 $0xFFFFC000  }
0xa3: {  	[hbm:s25@s18], [sflag:s15] =	dma.strided [spmem:s17@s26], $0x800, s24, $0x10   }
0xa4: {  	s13 =	simm.s32 $0xA0;
	s28 =	rddreg [dreg:$0x12]  }
0xa5: {  	s3 =	simm.s32 $0x0;
	s18 =	simm.s32 $0x380;
	s14 =	rddreg [dreg:$0x11]  }
.LBB2_2:
0xa6: {  	v2 =	vld.msk [tilespmem:s18+$0xFFFFFF00], $0x3;
	_ =	sdelay $0x4  }
0xa7: {  	v3 =	vshll.u32 v2, $0x6  }
0xa8: {  	v2 =	vand.u32 $0x7, v2;
	v3 =	vand.u32 $0xFFFFFE00, v3  }
0xa9: {  	v2 =	vor.u32 v2, v3  }
0xaa: {  	v2 =	vperm.xlane v2, v0;
	_ =	sdelay $0x1  }
0xab: {  	v2 =	vadd.s32 v1, v2;
	_ =	sdelay $0x3  }
0xac: {  	s0 =	smov.u32 s29;
	s29 =	rddreg [dreg:$0x1];
	s25 =	simm.s32 $0xA000  }
0xad: {  	[tilespmem:s25], [sflag:$0x3] =	stream.indirect_vreg.gather [hbm4b:s29+s4], $0x80, v2, vm0, $0xb8;
	[tilespmem:$0x1A000] =	vst v63  }
0xae: {  	s1 =	simm.s32 $0xA800  }
0xaf: {  	[tilespmem:s1], [sflag:$0x3] =	stream.indirect_vreg.gather [hbm4b:s6+s4], $0x80, v2, vm0, $0xb8;
	[tilespmem:$0x1A000] =	vst v63  }
0xb0: {  	s5 =	simm.s32 $0xB000  }
0xb1: {  	[tilespmem:s5], [sflag:$0x3] =	stream.indirect_vreg.gather [hbm4b:s7+s4], $0x80, v2, vm0, $0xb8;
	[tilespmem:$0x1A000] =	vst v63  }
0xb2: {  	s21 =	simm.s32 $0xB800  }
0xb3: {  	[tilespmem:s21], [sflag:$0x3] =	stream.indirect_vreg.gather [hbm4b:s8+s4], $0x80, v2, vm0, $0xb8;
	[tilespmem:$0x1A000] =	vst v63  }
0xb4: {  	s23 =	simm.s32 $0xC000  }
0xb5: {  	[tilespmem:s23], [sflag:$0x3] =	stream.indirect_vreg.gather [hbm4b:s9+s4], $0x80, v2, vm0, $0xb8;
	[tilespmem:$0x1A000] =	vst v63  }
0xb6: {  	s26 =	simm.s32 $0xC800  }
0xb7: {  	[tilespmem:s26], [sflag:$0x3] =	stream.indirect_vreg.gather [hbm4b:s10+s4], $0x80, v2, vm0, $0xb8;
	[tilespmem:$0x1A000] =	vst v63  }
0xb8: {  	s2 =	simm.s32 $0xD000  }
0xb9: {  	[tilespmem:s2], [sflag:$0x3] =	stream.indirect_vreg.gather [hbm4b:s11+s4], $0x80, v2, vm0, $0xb8;
	[tilespmem:$0x1A000] =	vst v63  }
0xba: {  	s5 =	simm.s32 $0xD800;
	s21 =	simm.s32 $0x1  }
0xbb: {  	[tilespmem:s5], [sflag:$0x3] =	stream.indirect_vreg.gather [hbm4b:s12+s4], $0x80, v2, vm0, $0xb8;
	[tilespmem:$0x1A000] =	vst v63  }
0xbc: {  	_ =	swait.ge [sflag:s21], $0x4000  }
0xbd: {  	[sflag:s21] =	ssyncset.done $0x0  }
0xbe: {  	s26 =	sadd.s32 $0xFFFFFFC0, s13;
	[sflag:s21] =	ssyncadd.s32 $0xFFFFC000  }
0xbf: {  	s1 =	sand.u32 $0x60, s26;
	_ =	swait.ge [sflag:s22], $0x800  }
0xc0: {  	s2 =	simm.s32 $0x2000;
	s5 =	simm.s32 $0x4;
	[sflag:s22] =	ssyncset.done $0x0  }
0xc1: {  	s21 =	sadd.s32 $0xFFFFF000, s28;
	s23 =	rddreg [dreg:$0x6];
	[sflag:s22] =	ssyncadd.s32 $0xFFFFF800  }
0xc2: {  	[spmem:s23] =	stream.linear.scatter [tilespmem:s2], [sflag:$0x4], $0x4000, $0x38;
	[tilespmem:$0x1A000] =	vst v63  }
0xc3: {  	s1 =	sadd.s32 s0, s1;
	s21 =	sand.u32 $0xFFFE000, s21;
	_ =	swait.ge [sflag:s5], $0x4000  }
0xc4: {  	s26 =	simm.s32 $0x80;
	s1 =	sadd.s32 s21, s1;
	[sflag:s5] =	ssyncset.done $0x0  }
0xc5: {  	s23 =	simm.s32 $0x20;
	s21 =	rddreg [dreg:$0x14];
	[sflag:s5] =	ssyncadd.s32 $0xFFFFC000  }
0xc6: {  	[hbm:s1@s26], [sflag:s31] =	dma.strided [spmem:s21@s23], $0x800, s24, $0x10   }
0xc7: {  	v2 =	vld.msk [tilespmem:s18+$0xFFFFFF80], $0x3;
	_ =	sdelay $0x4  }
0xc8: {  	v3 =	vshll.u32 v2, $0x6  }
0xc9: {  	v2 =	vand.u32 $0x7, v2;
	v3 =	vand.u32 $0xFFFFFE00, v3  }
0xca: {  	v2 =	vor.u32 v2, v3  }
0xcb: {  	v2 =	vperm.xlane v2, v0;
	_ =	sdelay $0x1  }
0xcc: {  	v2 =	vadd.s32 v1, v2;
	_ =	sdelay $0x4  }
0xcd: {  	[tilespmem:s2], [sflag:$0x1] =	stream.indirect_vreg.gather [hbm4b:s29+s4], $0x80, v2, vm0, $0xb8;
	[tilespmem:$0x1A000] =	vst v63  }
0xce: {  	s21 =	simm.s32 $0x2800  }
0xcf: {  	[tilespmem:s21], [sflag:$0x1] =	stream.indirect_vreg.gather [hbm4b:s6+s4], $0x80, v2, vm0, $0xb8;
	[tilespmem:$0x1A000] =	vst v63  }
0xd0: {  	s2 =	simm.s32 $0x3000  }
0xd1: {  	[tilespmem:s2], [sflag:$0x1] =	stream.indirect_vreg.gather [hbm4b:s7+s4], $0x80, v2, vm0, $0xb8;
	[tilespmem:$0x1A000] =	vst v63  }
0xd2: {  	s5 =	simm.s32 $0x3800  }
0xd3: {  	[tilespmem:s5], [sflag:$0x1] =	stream.indirect_vreg.gather [hbm4b:s8+s4], $0x80, v2, vm0, $0xb8;
	[tilespmem:$0x1A000] =	vst v63  }
0xd4: {  	s21 =	simm.s32 $0x4000  }
0xd5: {  	[tilespmem:s21], [sflag:$0x1] =	stream.indirect_vreg.gather [hbm4b:s9+s4], $0x80, v2, vm0, $0xb8;
	[tilespmem:$0x1A000] =	vst v63  }
0xd6: {  	s2 =	simm.s32 $0x4800  }
0xd7: {  	[tilespmem:s2], [sflag:$0x1] =	stream.indirect_vreg.gather [hbm4b:s10+s4], $0x80, v2, vm0, $0xb8;
	[tilespmem:$0x1A000] =	vst v63  }
0xd8: {  	s5 =	simm.s32 $0x5000  }
0xd9: {  	[tilespmem:s5], [sflag:$0x1] =	stream.indirect_vreg.gather [hbm4b:s11+s4], $0x80, v2, vm0, $0xb8;
	[tilespmem:$0x1A000] =	vst v63  }
0xda: {  	s21 =	simm.s32 $0x5800  }
0xdb: {  	[tilespmem:s21], [sflag:$0x1] =	stream.indirect_vreg.gather [hbm4b:s12+s4], $0x80, v2, vm0, $0xb8;
	[tilespmem:$0x1A000] =	vst v63  }
0xdc: {  	_ =	swait.ge [sflag:s24], $0x4000  }
0xdd: {  	[sflag:s24] =	ssyncset.done $0x0  }
0xde: {  	[sflag:s24] =	ssyncadd.s32 $0xFFFFC000  }
0xdf: {  	_ =	swait.ge [sflag:s20], $0x800  }
0xe0: {  	[sflag:s20] =	ssyncset.done $0x0  }
0xe1: {  	s5 =	simm.s32 $0x6000;
	s2 =	rddreg [dreg:$0x8];
	[sflag:s20] =	ssyncadd.s32 $0xFFFFF800  }
0xe2: {  	[spmem:s2] =	stream.linear.scatter [tilespmem:s5], [sflag:$0x5], $0x4000, $0x38;
	[tilespmem:$0x1A000] =	vst v63  }
0xe3: {  	s1 =	sand.u32 $0x7FFF0000, s14;
	s21 =	sand.u32 $0x300, s3;
	s2 =	simm.s32 $0x5  }
0xe4: {  	s1 =	sor.u32 s21, s1;
	_ =	swait.ge [sflag:s2], $0x4000  }
0xe5: {  	s1 =	sshrl.u32 s1, $0x3;
	[sflag:s2] =	ssyncset.done $0x0  }
0xe6: {  	s1 =	sadd.s32 s0, s1;
	[sflag:s2] =	ssyncadd.s32 $0xFFFFC000  }
0xe7: {  	[hbm:s1@s26], [sflag:s19] =	dma.strided [spmem:s30@s23], $0x800, s24, $0x10   }
0xe8: {  	v2 =	vld.msk [tilespmem:s18+$0x0], $0x3;
	_ =	sdelay $0x4  }
0xe9: {  	v3 =	vshll.u32 v2, $0x6  }
0xea: {  	v2 =	vand.u32 $0x7, v2;
	v3 =	vand.u32 $0xFFFFFE00, v3  }
0xeb: {  	v2 =	vor.u32 v2, v3  }
0xec: {  	v2 =	vperm.xlane v2, v0;
	_ =	sdelay $0x1  }
0xed: {  	v2 =	vadd.s32 v1, v2;
	_ =	sdelay $0x4  }
0xee: {  	[tilespmem:s5], [sflag:$0x2] =	stream.indirect_vreg.gather [hbm4b:s29+s4], $0x80, v2, vm0, $0xb8;
	[tilespmem:$0x1A000] =	vst v63  }
0xef: {  	s5 =	simm.s32 $0x6800  }
0xf0: {  	[tilespmem:s5], [sflag:$0x2] =	stream.indirect_vreg.gather [hbm4b:s6+s4], $0x80, v2, vm0, $0xb8;
	[tilespmem:$0x1A000] =	vst v63  }
0xf1: {  	s21 =	simm.s32 $0x7000  }
0xf2: {  	[tilespmem:s21], [sflag:$0x2] =	stream.indirect_vreg.gather [hbm4b:s7+s4], $0x80, v2, vm0, $0xb8;
	[tilespmem:$0x1A000] =	vst v63  }
0xf3: {  	s1 =	simm.s32 $0x7800  }
0xf4: {  	[tilespmem:s1], [sflag:$0x2] =	stream.indirect_vreg.gather [hbm4b:s8+s4], $0x80, v2, vm0, $0xb8;
	[tilespmem:$0x1A000] =	vst v63  }
0xf5: {  	s5 =	simm.s32 $0x8000  }
0xf6: {  	[tilespmem:s5], [sflag:$0x2] =	stream.indirect_vreg.gather [hbm4b:s9+s4], $0x80, v2, vm0, $0xb8;
	[tilespmem:$0x1A000] =	vst v63  }
0xf7: {  	s21 =	simm.s32 $0x8800  }
0xf8: {  	[tilespmem:s21], [sflag:$0x2] =	stream.indirect_vreg.gather [hbm4b:s10+s4], $0x80, v2, vm0, $0xb8;
	[tilespmem:$0x1A000] =	vst v63  }
0xf9: {  	s1 =	simm.s32 $0x9000  }
0xfa: {  	[tilespmem:s1], [sflag:$0x2] =	stream.indirect_vreg.gather [hbm4b:s11+s4], $0x80, v2, vm0, $0xb8;
	[tilespmem:$0x1A000] =	vst v63  }
0xfb: {  	s5 =	simm.s32 $0x9800;
	s21 =	simm.s32 $0x3  }
0xfc: {  	[tilespmem:s5], [sflag:$0x2] =	stream.indirect_vreg.gather [hbm4b:s12+s4], $0x80, v2, vm0, $0xb8;
	[tilespmem:$0x1A000] =	vst v63  }
0xfd: {  	_ =	swait.ge [sflag:s21], $0x4000  }
0xfe: {  	[sflag:s21] =	ssyncset.done $0x0  }
0xff: {  	[sflag:s21] =	ssyncadd.s32 $0xFFFFC000  }
0x100: {  	p0 =	sne.s32 s13, $0x760;
	s14 =	sadd.s32 $0xC000, s14;
	_ =	swait.ge [sflag:s16], $0x800  }
0x101: {  	s3 =	sadd.s32 $0x300, s3;
	s2 =	simm.s32 $0x6000;
	[sflag:s16] =	ssyncset.done $0x0  }
0x102: {  	s18 =	sadd.s32 $0x180, s18;
	s1 =	rddreg [dreg:$0xa];
	[sflag:s16] =	ssyncadd.s32 $0xFFFFF800  }
0x103: {  	[spmem:s1] =	stream.linear.scatter [tilespmem:s25], [sflag:$0x6], $0x4000, $0x38;
	[tilespmem:$0x1A000] =	vst v63  }
.Ltmp0:
0x104: {  	s29 =	smov.u32 s0;
	s5 =	simm.s32 $0x6;
	(pc) =	sbr.rel @p0 .LBB2_2-.Ltmp0, $4  }
0x105: {  	s21 =	sand.u32 $0x60, s13;
	s13 =	sadd.s32 $0x60, s13;
	_ =	swait.ge [sflag:s5], $0x4000  }
0x106: {  	s25 =	sand.u32 $0x7FE000, s28;
	s1 =	sadd.s32 s29, s21;
	[sflag:s5] =	ssyncset.done $0x0  }
0x107: {  	s28 =	sadd.s32 $0x1800, s28;
	s1 =	sadd.s32 s25, s1;
	[sflag:s5] =	ssyncadd.s32 $0xFFFFC000  }
0x108: {  	[hbm:s1@s26], [sflag:s15] =	dma.strided [spmem:s17@s23], $0x800, s24, $0x10   }
0x109: {  	v2 =	vld.msk [tilespmem:$0x1F00], $0x3;
	_ =	sdelay $0x4  }
0x10a: {  	v3 =	vshll.u32 v2, $0x6  }
0x10b: {  	v2 =	vand.u32 $0x7, v2;
	v3 =	vand.u32 $0xFFFFFE00, v3  }
0x10c: {  	v2 =	vor.u32 v2, v3  }
0x10d: {  	v2 =	vperm.xlane v2, v0;
	_ =	sdelay $0x1  }
0x10e: {  	v2 =	vadd.s32 v1, v2;
	_ =	sdelay $0x3  }
0x10f: {  	s1 =	rddreg [dreg:$0x1];
	s13 =	simm.s32 $0xA000  }
0x110: {  	[tilespmem:s13], [sflag:$0x3] =	stream.indirect_vreg.gather [hbm4b:s1+s4], $0x80, v2, vm0, $0xb8;
	[tilespmem:$0x1A000] =	vst v63  }
0x111: {  	s0 =	simm.s32 $0xA800  }
0x112: {  	[tilespmem:s0], [sflag:$0x3] =	stream.indirect_vreg.gather [hbm4b:s6+s4], $0x80, v2, vm0, $0xb8;
	[tilespmem:$0x1A000] =	vst v63  }
0x113: {  	s14 =	simm.s32 $0xB000  }
0x114: {  	[tilespmem:s14], [sflag:$0x3] =	stream.indirect_vreg.gather [hbm4b:s7+s4], $0x80, v2, vm0, $0xb8;
	[tilespmem:$0x1A000] =	vst v63  }
0x115: {  	s18 =	simm.s32 $0xB800  }
0x116: {  	[tilespmem:s18], [sflag:$0x3] =	stream.indirect_vreg.gather [hbm4b:s8+s4], $0x80, v2, vm0, $0xb8;
	[tilespmem:$0x1A000] =	vst v63  }
0x117: {  	s21 =	simm.s32 $0xC000  }
0x118: {  	[tilespmem:s21], [sflag:$0x3] =	stream.indirect_vreg.gather [hbm4b:s9+s4], $0x80, v2, vm0, $0xb8;
	[tilespmem:$0x1A000] =	vst v63  }
0x119: {  	s23 =	simm.s32 $0xC800  }
0x11a: {  	[tilespmem:s23], [sflag:$0x3] =	stream.indirect_vreg.gather [hbm4b:s10+s4], $0x80, v2, vm0, $0xb8;
	[tilespmem:$0x1A000] =	vst v63  }
0x11b: {  	s25 =	simm.s32 $0xD000  }
0x11c: {  	[tilespmem:s25], [sflag:$0x3] =	stream.indirect_vreg.gather [hbm4b:s11+s4], $0x80, v2, vm0, $0xb8;
	[tilespmem:$0x1A000] =	vst v63  }
0x11d: {  	s26 =	simm.s32 $0xD800;
	s21 =	simm.s32 $0x1  }
0x11e: {  	[tilespmem:s26], [sflag:$0x3] =	stream.indirect_vreg.gather [hbm4b:s12+s4], $0x80, v2, vm0, $0xb8;
	[tilespmem:$0x1A000] =	vst v63  }
0x11f: {  	_ =	swait.ge [sflag:s21], $0x4000  }
0x120: {  	[sflag:s21] =	ssyncset.done $0x0  }
0x121: {  	[sflag:s21] =	ssyncadd.s32 $0xFFFFC000  }
0x122: {  	_ =	swait.ge [sflag:s22], $0x800  }
0x123: {  	s5 =	simm.s32 $0x2000;
	[sflag:s22] =	ssyncset.done $0x0  }
0x124: {  	s23 =	simm.s32 $0x4;
	s0 =	rddreg [dreg:$0x6];
	[sflag:s22] =	ssyncadd.s32 $0xFFFFF800  }
0x125: {  	[spmem:s0] =	stream.linear.scatter [tilespmem:s5], [sflag:$0x4], $0x4000, $0x38;
	[tilespmem:$0x1A000] =	vst v63  }
0x126: {  	_ =	swait.ge [sflag:s23], $0x4000  }
0x127: {  	s14 =	simm.s32 $0x80;
	[sflag:s23] =	ssyncset.done $0x0;
	s3 =	rddreg [dreg:$0xc]  }
0x128: {  	s18 =	simm.s32 $0x20;
	s25 =	rddreg [dreg:$0x14];
	[sflag:s23] =	ssyncadd.s32 $0xFFFFC000  }
0x129: {  	[hbm:s3@s14], [sflag:s31] =	dma.strided [spmem:s25@s18], $0x800, s24, $0x10   }
0x12a: {  	v2 =	vld.msk [tilespmem:$0x1F80], $0x3;
	_ =	sdelay $0x4  }
0x12b: {  	v3 =	vshll.u32 v2, $0x6  }
0x12c: {  	v2 =	vand.u32 $0x7, v2;
	v3 =	vand.u32 $0xFFFFFE00, v3  }
0x12d: {  	v2 =	vor.u32 v2, v3  }
0x12e: {  	v2 =	vperm.xlane v2, v0;
	_ =	sdelay $0x1  }
0x12f: {  	v2 =	vadd.s32 v1, v2;
	_ =	sdelay $0x4  }
0x130: {  	[tilespmem:s5], [sflag:$0x1] =	stream.indirect_vreg.gather [hbm4b:s1+s4], $0x80, v2, vm0, $0xb8;
	[tilespmem:$0x1A000] =	vst v63  }
0x131: {  	s28 =	simm.s32 $0x2800  }
0x132: {  	[tilespmem:s28], [sflag:$0x1] =	stream.indirect_vreg.gather [hbm4b:s6+s4], $0x80, v2, vm0, $0xb8;
	[tilespmem:$0x1A000] =	vst v63  }
0x133: {  	s3 =	simm.s32 $0x3000  }
0x134: {  	[tilespmem:s3], [sflag:$0x1] =	stream.indirect_vreg.gather [hbm4b:s7+s4], $0x80, v2, vm0, $0xb8;
	[tilespmem:$0x1A000] =	vst v63  }
0x135: {  	s26 =	simm.s32 $0x3800  }
0x136: {  	[tilespmem:s26], [sflag:$0x1] =	stream.indirect_vreg.gather [hbm4b:s8+s4], $0x80, v2, vm0, $0xb8;
	[tilespmem:$0x1A000] =	vst v63  }
0x137: {  	s28 =	simm.s32 $0x4000  }
0x138: {  	[tilespmem:s28], [sflag:$0x1] =	stream.indirect_vreg.gather [hbm4b:s9+s4], $0x80, v2, vm0, $0xb8;
	[tilespmem:$0x1A000] =	vst v63  }
0x139: {  	s3 =	simm.s32 $0x4800  }
0x13a: {  	[tilespmem:s3], [sflag:$0x1] =	stream.indirect_vreg.gather [hbm4b:s10+s4], $0x80, v2, vm0, $0xb8;
	[tilespmem:$0x1A000] =	vst v63  }
0x13b: {  	s26 =	simm.s32 $0x5000  }
0x13c: {  	[tilespmem:s26], [sflag:$0x1] =	stream.indirect_vreg.gather [hbm4b:s11+s4], $0x80, v2, vm0, $0xb8;
	[tilespmem:$0x1A000] =	vst v63  }
0x13d: {  	s28 =	simm.s32 $0x5800  }
0x13e: {  	[tilespmem:s28], [sflag:$0x1] =	stream.indirect_vreg.gather [hbm4b:s12+s4], $0x80, v2, vm0, $0xb8;
	[tilespmem:$0x1A000] =	vst v63  }
0x13f: {  	_ =	swait.ge [sflag:s24], $0x4000  }
0x140: {  	[sflag:s24] =	ssyncset.done $0x0  }
0x141: {  	[sflag:s24] =	ssyncadd.s32 $0xFFFFC000  }
0x142: {  	_ =	swait.ge [sflag:s20], $0x800  }
0x143: {  	[sflag:s20] =	ssyncset.done $0x0  }
0x144: {  	s26 =	simm.s32 $0x5;
	s3 =	rddreg [dreg:$0x8];
	[sflag:s20] =	ssyncadd.s32 $0xFFFFF800  }
0x145: {  	[spmem:s3] =	stream.linear.scatter [tilespmem:s2], [sflag:$0x5], $0x4000, $0x38;
	[tilespmem:$0x1A000] =	vst v63  }
0x146: {  	_ =	swait.ge [sflag:s26], $0x4000  }
0x147: {  	[sflag:s26] =	ssyncset.done $0x0  }
0x148: {  	s2 =	simm.s32 $0x3;
	s28 =	rddreg [dreg:$0xd];
	[sflag:s26] =	ssyncadd.s32 $0xFFFFC000  }
0x149: {  	[hbm:s28@s14], [sflag:s19] =	dma.strided [spmem:s30@s18], $0x800, s24, $0x10   }
0x14a: {  	_ =	swait.ge [sflag:s2], $0x4000  }
0x14b: {  	[sflag:s2] =	ssyncset.done $0x0  }
0x14c: {  	[sflag:s2] =	ssyncadd.s32 $0xFFFFC000  }
0x14d: {  	_ =	swait.ge [sflag:s16], $0x800  }
0x14e: {  	[sflag:s16] =	ssyncset.done $0x0  }
0x14f: {  	s19 =	simm.s32 $0x6;
	s3 =	rddreg [dreg:$0xa];
	[sflag:s16] =	ssyncadd.s32 $0xFFFFF800  }
0x150: {  	[spmem:s3] =	stream.linear.scatter [tilespmem:s13], [sflag:$0x6], $0x4000, $0x38;
	[tilespmem:$0x1A000] =	vst v63  }
0x151: {  	_ =	swait.ge [sflag:s19], $0x4000  }
0x152: {  	[sflag:s19] =	ssyncset.done $0x0  }
0x153: {  	s26 =	rddreg [dreg:$0xe];
	[sflag:s19] =	ssyncadd.s32 $0xFFFFC000  }
0x154: {  	[hbm:s26@s14], [sflag:s15] =	dma.strided [spmem:s17@s18], $0x800, s24, $0x10   }
0x155: {  	_ =	swait.ge [sflag:s21], $0x4000  }
0x156: {  	[sflag:s21] =	ssyncset.done $0x0  }
0x157: {  	[sflag:s21] =	ssyncadd.s32 $0xFFFFC000  }
0x158: {  	_ =	swait.ge [sflag:s22], $0x800  }
0x159: {  	[sflag:s22] =	ssyncset.done $0x0  }
0x15a: {  	[sflag:s22] =	ssyncadd.s32 $0xFFFFF800  }
0x15b: {  	[spmem:s0] =	stream.linear.scatter [tilespmem:s5], [sflag:$0x4], $0x4000, $0x38;
	[tilespmem:$0x1A000] =	vst v63  }
0x15c: {  	_ =	swait.ge [sflag:s23], $0x4000  }
0x15d: {  	[sflag:s23] =	ssyncset.done $0x0  }
0x15e: {  	s28 =	rddreg [dreg:$0xf];
	[sflag:s23] =	ssyncadd.s32 $0xFFFFC000  }
0x15f: {  	[hbm:s28@s14], [sflag:s31] =	dma.strided [spmem:s25@s18], $0x800, s24, $0x10   }
0x160: {  	_ =	swait.ge [sflag:s20], $0x800  }
0x161: {  	[sflag:s20] =	ssyncset.done $0x0  }
0x162: {  	[sflag:s20] =	ssyncadd.s32 $0xFFFFF800  }
0x163: {  	_ =	swait.ge [sflag:s16], $0x800  }
0x164: {  	[sflag:s16] =	ssyncset.done $0x0  }
0x165: {  	[sflag:s16] =	ssyncadd.s32 $0xFFFFF800  }
0x166: {  	_ =	swait.ge [sflag:s22], $0x800  }
0x167: {  	s30 =	rddreg [dreg:$0x13]  }
0x168: {  	s31 =	rddreg [dreg:$0x10];
	s2 =	sadd.s32 $0x1, s30  }
0x169: {  	p0 =	sne.s32 s2, s31  }
.Ltmp1:
0x16a: {  	_ = 	snop;
	(pc) =	sbr.rel @p0 .LBB2_1-.Ltmp1, $3  }
0x16b: {  	_ =	sdelay $0x1  }
0x16c: {  	s1 =	simm.s32 $0x7000;
	[sflag:s22] =	ssyncset.done $0x0  }
0x16d: {  	s3 =	simm.s32 $0x7800;
	s5 =	simm.s32 $0x6800;
	[sflag:s22] =	ssyncadd.s32 $0xFFFFF800  }
0x16e: {  	_ =	sfence.sel $0x180000  }
0x16f: {  	[bflag:$0x0] =	sbarrier.arrive $0xFFFF  }
0x170: {  	_ =	strace $0x90000047  }
0x171: {  	s0 =	stileid.u32;
	[bflag:$0x2] =	sbarrier.arrive $0xFFFF  }
0x172: {  	p0 =	sne.s32 s0, $0x0;
	s0 =	rddreg [dreg:$0x4]  }
0x173: {  	s0 =	sadd.s32 @!p0 $0x100000, s0  }
0x174: {  	[sflag:s0] =	ssyncadd.tile.s32 @!p0 $0x1;
	_ =	shalt  }
.Lfunc_end2:
_tile_overlayer_lowered:
.L_overlay_start_2:
0x175: {  	(tag) =	ssettag $0x2  }
0x176: {  	s0 =	rddreg [dreg:$0x0];
	s2 =	stileid.u32  }
0x177: {  	s1 =	rddreg [dreg:$0x1];
	p0 =	sne.s32 s2, $0x0  }
0x178: {  	s3 =	rddreg [dreg:$0x2];
	[bflag:$0x3] =	sbarrier.arrive $0xFFFF;
	s2 =	simm.s32 @!p0 $0x1C0A  }
0x179: {  	[timem:s3], [sflag:s2] =	dma.local @!p0 [hbm:s0], s1  }
0x17a: {  	s0 =	simm.s32 @!p0 $0xA  }
0x17b: {  	_ =	swait.ge @!p0 [sflag:s0], s1  }
0x17c: {  	s1 =	ssub.s32 @!p0 $0x0, s1;
	[sflag:s0] =	ssyncset.done @!p0 $0x0  }
0x17d: {  	[sflag:s0] =	ssyncadd.s32 @!p0 s1  }
0x17e: {  	[bflag:$0x3] =	sbarrier.arrive $0xFFFF  }
0x17f: {  	_ =	shalt  }

</sc_bundles>
